<compile_context>
chip_gen: v7x
topology: tpu7x:2x2x1
jax: 0.10.2.dev20260603
libtpu: 0.0.44.dev20260713+nightly
codegen_flags: <defaults>
</compile_context>

<pallas_src>
import functools

import jax
import jax.numpy as jnp
from jax import lax
from jax.experimental import pallas as pl
from jax.experimental.pallas import tpu as pltpu
from jax.experimental.pallas import tpu_sc as plsc

_D = 128
_NC = 2
_NS = 16
_NW = _NC * _NS
_LANES = 16

_B = 4096 * 200
_BPW = _B // _NW
_IW = 128
_KPC = 2
_CHUNK = _IW * _KPC
_NCHUNK = _BPW // _CHUNK
_NBUF = 2

_mesh = plsc.VectorSubcoreMesh(core_axis_name="c", subcore_axis_name="s")


@functools.partial(
    pl.kernel,
    out_type=jax.ShapeDtypeStruct((_B, _D), jnp.float32),
    mesh=_mesh,
    scratch_types=[
        pltpu.VMEM((_NBUF, _KPC, _IW), jnp.int32),
        pltpu.VMEM((_NBUF, _CHUNK, _D), jnp.float32),
        pltpu.SemaphoreType.DMA,
        pltpu.SemaphoreType.DMA,
        pltpu.SemaphoreType.DMA,
        pltpu.SemaphoreType.DMA,
    ],
)
def _emb_lookup(idx_hbm, table_hbm, out_hbm, idx_v, rows_v, g0, g1, o0, o1):
    wid = lax.axis_index("s") * _NC + lax.axis_index("c")
    gsem = (g0, g1)
    osem = (o0, o1)

    def load_and_fire(c, b):
        irow = wid * (_BPW // _IW) + c * _KPC
        pltpu.sync_copy(idx_hbm.at[pl.ds(irow, _KPC)], idx_v.at[b])
        for k in range(_KPC):
            for i in range(_IW // _LANES):
                sl = pl.ds(i * _LANES, _LANES)
                idx_v[b, k, sl] = idx_v[b, k, sl] + 1
        for k in range(_KPC):
            pltpu.async_copy(
                table_hbm.at[idx_v.at[b, k]],
                rows_v.at[b].at[pl.ds(k * _IW, _IW)],
                gsem[b],
            )

    def drain_and_fire_out(c, b):
        for k in range(_KPC):
            pltpu.make_async_copy(
                table_hbm.at[idx_v.at[b, k]],
                rows_v.at[b].at[pl.ds(k * _IW, _IW)],
                gsem[b],
            ).wait()
        base = wid * _BPW + c * _CHUNK
        pltpu.async_copy(rows_v.at[b], out_hbm.at[pl.ds(base, _CHUNK)], osem[b])

    def wait_out(c, b):
        base = wid * _BPW + c * _CHUNK
        pltpu.make_async_copy(
            rows_v.at[b], out_hbm.at[pl.ds(base, _CHUNK)], osem[b]
        ).wait()

    for b in range(_NBUF):
        load_and_fire(b, b)

    @pl.loop(0, (_NCHUNK - _NBUF) // _NBUF)
    def _step(t):
        g = t * _NBUF
        for b in range(_NBUF):
            drain_and_fire_out(g + b, b)
        for b in range(_NBUF):
            wait_out(g + b, b)
            load_and_fire(g + b + _NBUF, b)

    for b in range(_NBUF):
        drain_and_fire_out(_NCHUNK - _NBUF + b, b)
    for b in range(_NBUF):
        wait_out(_NCHUNK - _NBUF + b, b)


def kernel(actions, emb_weight):
    idx = actions.astype(jnp.int32).reshape(_B // _IW, _IW)
    out = _emb_lookup(idx, emb_weight)
    return out.reshape(actions.shape[0], actions.shape[1], _D)

# --- scband reference (transcript-rebuilt; emitter-appended) ---
"""Pipeline reference for scband-discrete-action-adapter-63402307224195 (READ-ONLY COPY).

The authoritative reference and input builder live on the scoring server;
editing this copy changes nothing except your own understanding.
"""

import jax, jax.numpy as jnp
import numpy as np

NUM_ACTIONS = 1000
ACTIONS_DIM = 128

def setup_inputs(seed: int = 0) -> dict:
    key = jax.random.key(seed)
    k1, k2 = jax.random.split(key)
    actions = jax.random.randint(k1, (4096, 200), 0, NUM_ACTIONS, dtype=jnp.int64 if jax.config.jax_enable_x64 else jnp.int32)
    # embedding table of size (num_actions + 1, actions_dim), matching nn.Embedding default init N(0,1)
    emb_weight = jax.random.normal(k2, (NUM_ACTIONS + 1, ACTIONS_DIM), dtype=jnp.float32)
    return {"actions": actions, "emb_weight": emb_weight}

def reference(actions, emb_weight):
    # actions = actions.long() + 1; return self.emb(actions)
    shifted = actions.astype(jnp.int32) + 1
    return jnp.take(emb_weight, shifted, axis=0)

if __name__ == "__main__":
    import jax
    _d = setup_inputs()
    print(jax.jit(kernel)(*tuple(_d.values())))

</pallas_src>

<mosaic_0001>
#map = affine_map<(d0, d1) -> (0, 0)>
module attributes {stable_mosaic.version = 14 : i64} {
  func.func @_emb_lookup(%arg0: i32, %arg1: i32, %arg2: memref<6400x128xi32, #tpu.memory_space<hbm>>, %arg3: memref<1001x128xf32, #tpu.memory_space<hbm>>, %arg4: memref<819200x128xf32, #tpu.memory_space<hbm>>, %arg5: memref<2x2x128xi32, #tpu.memory_space<vmem>>, %arg6: memref<2x256x128xf32, #tpu.memory_space<vmem>>, %arg7: memref<!tpu.dma_semaphore, #tpu.memory_space<semaphore_mem>>, %arg8: memref<!tpu.dma_semaphore, #tpu.memory_space<semaphore_mem>>, %arg9: memref<!tpu.dma_semaphore, #tpu.memory_space<semaphore_mem>>, %arg10: memref<!tpu.dma_semaphore, #tpu.memory_space<semaphore_mem>>) attributes {dimension_semantics = [#tpu.dimension_semantics<core_parallel>, #tpu.dimension_semantics<subcore_parallel>], iteration_bounds = array<i64: 2, 16>, scalar_prefetch = 0 : i64, scratch_operands = 6 : i64, tpu.core_type = #tpu.core_type<sc_vector_subcore>, window_params = [{transform_indices = #map}, {transform_indices = #map}, {transform_indices = #map}]} {
    %mul3A = arith.constant 2 : i32
    %mul3A_0 = arith.muli %arg1, %mul3A : i32
    %add3A = arith.addi %mul3A_0, %arg0 : i32
    %mul3A_1 = arith.constant 200 : i32
    %mul3A_2 = arith.muli %add3A, %mul3A_1 : i32
    %add3A_3 = arith.constant 0 : i32
    %add3A_4 = arith.addi %mul3A_2, %add3A_3 : i32
    %run_scoped3A = arith.constant 0 : i32
    "tpu.region"() ({
      %run_scoped3A_782 = tpu.sem_alloc : memref<!tpu.dma_semaphore, #tpu.memory_space<semaphore_mem>>
      %dma_start3A_783 = arith.constant 0 : i32
      %dma_start3A_784 = arith.constant 0 : i32
      %dma_start3A_785 = tpu.memref_slice %arg5[%run_scoped3A, %dma_start3A_783, %dma_start3A_784] : memref<2x2x128xi32, #tpu.memory_space<vmem>> -> memref<1x2x128xi32, #tpu.memory_space<vmem>>
      %dma_start3A_786 = tpu.memref_squeeze %dma_start3A_785 : memref<1x2x128xi32, #tpu.memory_space<vmem>> -> memref<2x128xi32, #tpu.memory_space<vmem>>
      %dma_start3A_787 = arith.constant 0 : i32
      %dma_start3A_788 = tpu.memref_slice %arg2[%add3A_4, %dma_start3A_787] : memref<6400x128xi32, #tpu.memory_space<hbm>> -> memref<2x128xi32, #tpu.memory_space<hbm>>
      %dma_start3A_789 = arith.constant 0 : i32
      %dma_start3A_790 = arith.constant 0 : i32
      %dma_start3A_791 = tpu.memref_slice %arg5[%run_scoped3A, %dma_start3A_789, %dma_start3A_790] : memref<2x2x128xi32, #tpu.memory_space<vmem>> -> memref<1x2x128xi32, #tpu.memory_space<vmem>>
      %dma_start3A_792 = tpu.memref_squeeze %dma_start3A_791 : memref<1x2x128xi32, #tpu.memory_space<vmem>> -> memref<2x128xi32, #tpu.memory_space<vmem>>
      %dma_start3A_793 = arith.constant 0 : i32
      %dma_start3A_794 = tpu.memref_slice %arg2[%add3A_4, %dma_start3A_793] : memref<6400x128xi32, #tpu.memory_space<hbm>> -> memref<2x128xi32, #tpu.memory_space<hbm>>
      tpu.enqueue_dma source(%dma_start3A_794 : memref<2x128xi32, #tpu.memory_space<hbm>>) target(%dma_start3A_792 : memref<2x128xi32, #tpu.memory_space<vmem>>) target_semaphore(%run_scoped3A_782 : memref<!tpu.dma_semaphore, #tpu.memory_space<semaphore_mem>>)
      %dma_wait3A_795 = arith.constant 0 : i32
      %dma_wait3A_796 = arith.constant 0 : i32
      %dma_wait3A_797 = tpu.memref_slice %arg5[%run_scoped3A, %dma_wait3A_795, %dma_wait3A_796] : memref<2x2x128xi32, #tpu.memory_space<vmem>> -> memref<1x2x128xi32, #tpu.memory_space<vmem>>
      %dma_wait3A_798 = tpu.memref_squeeze %dma_wait3A_797 : memref<1x2x128xi32, #tpu.memory_space<vmem>> -> memref<2x128xi32, #tpu.memory_space<vmem>>
      %dma_wait3A_799 = arith.constant 0 : i32
      %dma_wait3A_800 = tpu.memref_slice %arg2[%add3A_4, %dma_wait3A_799] : memref<6400x128xi32, #tpu.memory_space<hbm>> -> memref<2x128xi32, #tpu.memory_space<hbm>>
      %dma_wait3A_801 = arith.constant 0 : i32
      %dma_wait3A_802 = arith.constant 0 : i32
      %dma_wait3A_803 = tpu.memref_slice %arg5[%run_scoped3A, %dma_wait3A_801, %dma_wait3A_802] : memref<2x2x128xi32, #tpu.memory_space<vmem>> -> memref<1x2x128xi32, #tpu.memory_space<vmem>>
      %dma_wait3A_804 = tpu.memref_squeeze %dma_wait3A_803 : memref<1x2x128xi32, #tpu.memory_space<vmem>> -> memref<2x128xi32, #tpu.memory_space<vmem>>
      %dma_wait3A_805 = arith.constant 0 : i32
      %dma_wait3A_806 = tpu.memref_slice %arg2[%add3A_4, %dma_wait3A_805] : memref<6400x128xi32, #tpu.memory_space<hbm>> -> memref<2x128xi32, #tpu.memory_space<hbm>>
      tpu.wait_dma2 semaphore(%run_scoped3A_782 : memref<!tpu.dma_semaphore, #tpu.memory_space<semaphore_mem>>) src(%dma_wait3A_806 : memref<2x128xi32, #tpu.memory_space<hbm>>) dst(%dma_wait3A_804 : memref<2x128xi32, #tpu.memory_space<vmem>>)
      tpu.yield
    }) : () -> ()
    %get3A = arith.constant 0 : i32
    %get3A_5 = arith.constant 0 : i32
    %get3A_6 = arith.index_cast %get3A : i32 to index
    %get3A_7 = arith.index_cast %get3A_5 : i32 to index
    %get3A_8 = arith.constant 0 : index
    %get3A_9 = tpu.vector_load %arg5[%get3A_6, %get3A_7, %get3A_8] {strides = array<i32>} : memref<2x2x128xi32, #tpu.memory_space<vmem>>, vector<1x1x16xi32>,
    %get3A_10 = vector.shape_cast %get3A_9 : vector<1x1x16xi32> to vector<16xi32>
    %add3A_11 = arith.constant 1 : i32
    %add3A_12 = vector.broadcast %add3A_11 : i32 to vector<16xi32>
    %add3A_13 = arith.addi %get3A_10, %add3A_12 : vector<16xi32>
    %swap3A = arith.constant 0 : i32
    %swap3A_14 = arith.constant 0 : i32
    %swap3A_15 = arith.index_cast %swap3A : i32 to index
    %swap3A_16 = arith.index_cast %swap3A_14 : i32 to index
    %swap3A_17 = arith.constant 0 : index
    %swap3A_18 = tpu.vector_load %arg5[%swap3A_15, %swap3A_16, %swap3A_17] {strides = array<i32>} : memref<2x2x128xi32, #tpu.memory_space<vmem>>, vector<1x1x16xi32>,
    %swap3A_19 = vector.shape_cast %swap3A_18 : vector<1x1x16xi32> to vector<16xi32>
    %swap3A_20 = vector.shape_cast %add3A_13 : vector<16xi32> to vector<1x1x16xi32>
    tpu.vector_store %arg5[%swap3A_15, %swap3A_16, %swap3A_17], %swap3A_20 {strides = array<i32>} : memref<2x2x128xi32, #tpu.memory_space<vmem>>, vector<1x1x16xi32>,
    %get3A_21 = arith.constant 0 : i32
    %get3A_22 = arith.constant 0 : i32
    %get3A_23 = arith.index_cast %get3A_21 : i32 to index
    %get3A_24 = arith.index_cast %get3A_22 : i32 to index
    %get3A_25 = arith.constant 16 : index
    %get3A_26 = tpu.vector_load %arg5[%get3A_23, %get3A_24, %get3A_25] {strides = array<i32>} : memref<2x2x128xi32, #tpu.memory_space<vmem>>, vector<1x1x16xi32>,
    %get3A_27 = vector.shape_cast %get3A_26 : vector<1x1x16xi32> to vector<16xi32>
    %add3A_28 = arith.constant 1 : i32
    %add3A_29 = vector.broadcast %add3A_28 : i32 to vector<16xi32>
    %add3A_30 = arith.addi %get3A_27, %add3A_29 : vector<16xi32>
    %swap3A_31 = arith.constant 0 : i32
    %swap3A_32 = arith.constant 0 : i32
    %swap3A_33 = arith.index_cast %swap3A_31 : i32 to index
    %swap3A_34 = arith.index_cast %swap3A_32 : i32 to index
    %swap3A_35 = arith.constant 16 : index
    %swap3A_36 = tpu.vector_load %arg5[%swap3A_33, %swap3A_34, %swap3A_35] {strides = array<i32>} : memref<2x2x128xi32, #tpu.memory_space<vmem>>, vector<1x1x16xi32>,
    %swap3A_37 = vector.shape_cast %swap3A_36 : vector<1x1x16xi32> to vector<16xi32>
    %swap3A_38 = vector.shape_cast %add3A_30 : vector<16xi32> to vector<1x1x16xi32>
    tpu.vector_store %arg5[%swap3A_33, %swap3A_34, %swap3A_35], %swap3A_38 {strides = array<i32>} : memref<2x2x128xi32, #tpu.memory_space<vmem>>, vector<1x1x16xi32>,
    %get3A_39 = arith.constant 0 : i32
    %get3A_40 = arith.constant 0 : i32
    %get3A_41 = arith.index_cast %get3A_39 : i32 to index
    %get3A_42 = arith.index_cast %get3A_40 : i32 to index
    %get3A_43 = arith.constant 32 : index
    %get3A_44 = tpu.vector_load %arg5[%get3A_41, %get3A_42, %get3A_43] {strides = array<i32>} : memref<2x2x128xi32, #tpu.memory_space<vmem>>, vector<1x1x16xi32>,
    %get3A_45 = vector.shape_cast %get3A_44 : vector<1x1x16xi32> to vector<16xi32>
    %add3A_46 = arith.constant 1 : i32
    %add3A_47 = vector.broadcast %add3A_46 : i32 to vector<16xi32>
    %add3A_48 = arith.addi %get3A_45, %add3A_47 : vector<16xi32>
    %swap3A_49 = arith.constant 0 : i32
    %swap3A_50 = arith.constant 0 : i32
    %swap3A_51 = arith.index_cast %swap3A_49 : i32 to index
    %swap3A_52 = arith.index_cast %swap3A_50 : i32 to index
    %swap3A_53 = arith.constant 32 : index
    %swap3A_54 = tpu.vector_load %arg5[%swap3A_51, %swap3A_52, %swap3A_53] {strides = array<i32>} : memref<2x2x128xi32, #tpu.memory_space<vmem>>, vector<1x1x16xi32>,
    %swap3A_55 = vector.shape_cast %swap3A_54 : vector<1x1x16xi32> to vector<16xi32>
    %swap3A_56 = vector.shape_cast %add3A_48 : vector<16xi32> to vector<1x1x16xi32>
    tpu.vector_store %arg5[%swap3A_51, %swap3A_52, %swap3A_53], %swap3A_56 {strides = array<i32>} : memref<2x2x128xi32, #tpu.memory_space<vmem>>, vector<1x1x16xi32>,
    %get3A_57 = arith.constant 0 : i32
    %get3A_58 = arith.constant 0 : i32
    %get3A_59 = arith.index_cast %get3A_57 : i32 to index
    %get3A_60 = arith.index_cast %get3A_58 : i32 to index
    %get3A_61 = arith.constant 48 : index
    %get3A_62 = tpu.vector_load %arg5[%get3A_59, %get3A_60, %get3A_61] {strides = array<i32>} : memref<2x2x128xi32, #tpu.memory_space<vmem>>, vector<1x1x16xi32>,
    %get3A_63 = vector.shape_cast %get3A_62 : vector<1x1x16xi32> to vector<16xi32>
    %add3A_64 = arith.constant 1 : i32
    %add3A_65 = vector.broadcast %add3A_64 : i32 to vector<16xi32>
    %add3A_66 = arith.addi %get3A_63, %add3A_65 : vector<16xi32>
    %swap3A_67 = arith.constant 0 : i32
    %swap3A_68 = arith.constant 0 : i32
    %swap3A_69 = arith.index_cast %swap3A_67 : i32 to index
    %swap3A_70 = arith.index_cast %swap3A_68 : i32 to index
    %swap3A_71 = arith.constant 48 : index
    %swap3A_72 = tpu.vector_load %arg5[%swap3A_69, %swap3A_70, %swap3A_71] {strides = array<i32>} : memref<2x2x128xi32, #tpu.memory_space<vmem>>, vector<1x1x16xi32>,
    %swap3A_73 = vector.shape_cast %swap3A_72 : vector<1x1x16xi32> to vector<16xi32>
    %swap3A_74 = vector.shape_cast %add3A_66 : vector<16xi32> to vector<1x1x16xi32>
    tpu.vector_store %arg5[%swap3A_69, %swap3A_70, %swap3A_71], %swap3A_74 {strides = array<i32>} : memref<2x2x128xi32, #tpu.memory_space<vmem>>, vector<1x1x16xi32>,
    %get3A_75 = arith.constant 0 : i32
    %get3A_76 = arith.constant 0 : i32
    %get3A_77 = arith.index_cast %get3A_75 : i32 to index
    %get3A_78 = arith.index_cast %get3A_76 : i32 to index
    %get3A_79 = arith.constant 64 : index
    %get3A_80 = tpu.vector_load %arg5[%get3A_77, %get3A_78, %get3A_79] {strides = array<i32>} : memref<2x2x128xi32, #tpu.memory_space<vmem>>, vector<1x1x16xi32>,
    %get3A_81 = vector.shape_cast %get3A_80 : vector<1x1x16xi32> to vector<16xi32>
    %add3A_82 = arith.constant 1 : i32
    %add3A_83 = vector.broadcast %add3A_82 : i32 to vector<16xi32>
    %add3A_84 = arith.addi %get3A_81, %add3A_83 : vector<16xi32>
    %swap3A_85 = arith.constant 0 : i32
    %swap3A_86 = arith.constant 0 : i32
    %swap3A_87 = arith.index_cast %swap3A_85 : i32 to index
    %swap3A_88 = arith.index_cast %swap3A_86 : i32 to index
    %swap3A_89 = arith.constant 64 : index
    %swap3A_90 = tpu.vector_load %arg5[%swap3A_87, %swap3A_88, %swap3A_89] {strides = array<i32>} : memref<2x2x128xi32, #tpu.memory_space<vmem>>, vector<1x1x16xi32>,
    %swap3A_91 = vector.shape_cast %swap3A_90 : vector<1x1x16xi32> to vector<16xi32>
    %swap3A_92 = vector.shape_cast %add3A_84 : vector<16xi32> to vector<1x1x16xi32>
    tpu.vector_store %arg5[%swap3A_87, %swap3A_88, %swap3A_89], %swap3A_92 {strides = array<i32>} : memref<2x2x128xi32, #tpu.memory_space<vmem>>, vector<1x1x16xi32>,
    %get3A_93 = arith.constant 0 : i32
    %get3A_94 = arith.constant 0 : i32
    %get3A_95 = arith.index_cast %get3A_93 : i32 to index
    %get3A_96 = arith.index_cast %get3A_94 : i32 to index
    %get3A_97 = arith.constant 80 : index
    %get3A_98 = tpu.vector_load %arg5[%get3A_95, %get3A_96, %get3A_97] {strides = array<i32>} : memref<2x2x128xi32, #tpu.memory_space<vmem>>, vector<1x1x16xi32>,
    %get3A_99 = vector.shape_cast %get3A_98 : vector<1x1x16xi32> to vector<16xi32>
    %add3A_100 = arith.constant 1 : i32
    %add3A_101 = vector.broadcast %add3A_100 : i32 to vector<16xi32>
    %add3A_102 = arith.addi %get3A_99, %add3A_101 : vector<16xi32>
    %swap3A_103 = arith.constant 0 : i32
    %swap3A_104 = arith.constant 0 : i32
    %swap3A_105 = arith.index_cast %swap3A_103 : i32 to index
    %swap3A_106 = arith.index_cast %swap3A_104 : i32 to index
    %swap3A_107 = arith.constant 80 : index
    %swap3A_108 = tpu.vector_load %arg5[%swap3A_105, %swap3A_106, %swap3A_107] {strides = array<i32>} : memref<2x2x128xi32, #tpu.memory_space<vmem>>, vector<1x1x16xi32>,
    %swap3A_109 = vector.shape_cast %swap3A_108 : vector<1x1x16xi32> to vector<16xi32>
    %swap3A_110 = vector.shape_cast %add3A_102 : vector<16xi32> to vector<1x1x16xi32>
    tpu.vector_store %arg5[%swap3A_105, %swap3A_106, %swap3A_107], %swap3A_110 {strides = array<i32>} : memref<2x2x128xi32, #tpu.memory_space<vmem>>, vector<1x1x16xi32>,
    %get3A_111 = arith.constant 0 : i32
    %get3A_112 = arith.constant 0 : i32
    %get3A_113 = arith.index_cast %get3A_111 : i32 to index
    %get3A_114 = arith.index_cast %get3A_112 : i32 to index
    %get3A_115 = arith.constant 96 : index
    %get3A_116 = tpu.vector_load %arg5[%get3A_113, %get3A_114, %get3A_115] {strides = array<i32>} : memref<2x2x128xi32, #tpu.memory_space<vmem>>, vector<1x1x16xi32>,
    %get3A_117 = vector.shape_cast %get3A_116 : vector<1x1x16xi32> to vector<16xi32>
    %add3A_118 = arith.constant 1 : i32
    %add3A_119 = vector.broadcast %add3A_118 : i32 to vector<16xi32>
    %add3A_120 = arith.addi %get3A_117, %add3A_119 : vector<16xi32>
    %swap3A_121 = arith.constant 0 : i32
    %swap3A_122 = arith.constant 0 : i32
    %swap3A_123 = arith.index_cast %swap3A_121 : i32 to index
    %swap3A_124 = arith.index_cast %swap3A_122 : i32 to index
    %swap3A_125 = arith.constant 96 : index
    %swap3A_126 = tpu.vector_load %arg5[%swap3A_123, %swap3A_124, %swap3A_125] {strides = array<i32>} : memref<2x2x128xi32, #tpu.memory_space<vmem>>, vector<1x1x16xi32>,
    %swap3A_127 = vector.shape_cast %swap3A_126 : vector<1x1x16xi32> to vector<16xi32>
    %swap3A_128 = vector.shape_cast %add3A_120 : vector<16xi32> to vector<1x1x16xi32>
    tpu.vector_store %arg5[%swap3A_123, %swap3A_124, %swap3A_125], %swap3A_128 {strides = array<i32>} : memref<2x2x128xi32, #tpu.memory_space<vmem>>, vector<1x1x16xi32>,
    %get3A_129 = arith.constant 0 : i32
    %get3A_130 = arith.constant 0 : i32
    %get3A_131 = arith.index_cast %get3A_129 : i32 to index
    %get3A_132 = arith.index_cast %get3A_130 : i32 to index
    %get3A_133 = arith.constant 112 : index
    %get3A_134 = tpu.vector_load %arg5[%get3A_131, %get3A_132, %get3A_133] {strides = array<i32>} : memref<2x2x128xi32, #tpu.memory_space<vmem>>, vector<1x1x16xi32>,
    %get3A_135 = vector.shape_cast %get3A_134 : vector<1x1x16xi32> to vector<16xi32>
    %add3A_136 = arith.constant 1 : i32
    %add3A_137 = vector.broadcast %add3A_136 : i32 to vector<16xi32>
    %add3A_138 = arith.addi %get3A_135, %add3A_137 : vector<16xi32>
    %swap3A_139 = arith.constant 0 : i32
    %swap3A_140 = arith.constant 0 : i32
    %swap3A_141 = arith.index_cast %swap3A_139 : i32 to index
    %swap3A_142 = arith.index_cast %swap3A_140 : i32 to index
    %swap3A_143 = arith.constant 112 : index
    %swap3A_144 = tpu.vector_load %arg5[%swap3A_141, %swap3A_142, %swap3A_143] {strides = array<i32>} : memref<2x2x128xi32, #tpu.memory_space<vmem>>, vector<1x1x16xi32>,
    %swap3A_145 = vector.shape_cast %swap3A_144 : vector<1x1x16xi32> to vector<16xi32>
    %swap3A_146 = vector.shape_cast %add3A_138 : vector<16xi32> to vector<1x1x16xi32>
    tpu.vector_store %arg5[%swap3A_141, %swap3A_142, %swap3A_143], %swap3A_146 {strides = array<i32>} : memref<2x2x128xi32, #tpu.memory_space<vmem>>, vector<1x1x16xi32>,
    %get3A_147 = arith.constant 0 : i32
    %get3A_148 = arith.constant 1 : i32
    %get3A_149 = arith.index_cast %get3A_147 : i32 to index
    %get3A_150 = arith.index_cast %get3A_148 : i32 to index
    %get3A_151 = arith.constant 0 : index
    %get3A_152 = tpu.vector_load %arg5[%get3A_149, %get3A_150, %get3A_151] {strides = array<i32>} : memref<2x2x128xi32, #tpu.memory_space<vmem>>, vector<1x1x16xi32>,
    %get3A_153 = vector.shape_cast %get3A_152 : vector<1x1x16xi32> to vector<16xi32>
    %add3A_154 = arith.constant 1 : i32
    %add3A_155 = vector.broadcast %add3A_154 : i32 to vector<16xi32>
    %add3A_156 = arith.addi %get3A_153, %add3A_155 : vector<16xi32>
    %swap3A_157 = arith.constant 0 : i32
    %swap3A_158 = arith.constant 1 : i32
    %swap3A_159 = arith.index_cast %swap3A_157 : i32 to index
    %swap3A_160 = arith.index_cast %swap3A_158 : i32 to index
    %swap3A_161 = arith.constant 0 : index
    %swap3A_162 = tpu.vector_load %arg5[%swap3A_159, %swap3A_160, %swap3A_161] {strides = array<i32>} : memref<2x2x128xi32, #tpu.memory_space<vmem>>, vector<1x1x16xi32>,
    %swap3A_163 = vector.shape_cast %swap3A_162 : vector<1x1x16xi32> to vector<16xi32>
    %swap3A_164 = vector.shape_cast %add3A_156 : vector<16xi32> to vector<1x1x16xi32>
    tpu.vector_store %arg5[%swap3A_159, %swap3A_160, %swap3A_161], %swap3A_164 {strides = array<i32>} : memref<2x2x128xi32, #tpu.memory_space<vmem>>, vector<1x1x16xi32>,
    %get3A_165 = arith.constant 0 : i32
    %get3A_166 = arith.constant 1 : i32
    %get3A_167 = arith.index_cast %get3A_165 : i32 to index
    %get3A_168 = arith.index_cast %get3A_166 : i32 to index
    %get3A_169 = arith.constant 16 : index
    %get3A_170 = tpu.vector_load %arg5[%get3A_167, %get3A_168, %get3A_169] {strides = array<i32>} : memref<2x2x128xi32, #tpu.memory_space<vmem>>, vector<1x1x16xi32>,
    %get3A_171 = vector.shape_cast %get3A_170 : vector<1x1x16xi32> to vector<16xi32>
    %add3A_172 = arith.constant 1 : i32
    %add3A_173 = vector.broadcast %add3A_172 : i32 to vector<16xi32>
    %add3A_174 = arith.addi %get3A_171, %add3A_173 : vector<16xi32>
    %swap3A_175 = arith.constant 0 : i32
    %swap3A_176 = arith.constant 1 : i32
    %swap3A_177 = arith.index_cast %swap3A_175 : i32 to index
    %swap3A_178 = arith.index_cast %swap3A_176 : i32 to index
    %swap3A_179 = arith.constant 16 : index
    %swap3A_180 = tpu.vector_load %arg5[%swap3A_177, %swap3A_178, %swap3A_179] {strides = array<i32>} : memref<2x2x128xi32, #tpu.memory_space<vmem>>, vector<1x1x16xi32>,
    %swap3A_181 = vector.shape_cast %swap3A_180 : vector<1x1x16xi32> to vector<16xi32>
    %swap3A_182 = vector.shape_cast %add3A_174 : vector<16xi32> to vector<1x1x16xi32>
    tpu.vector_store %arg5[%swap3A_177, %swap3A_178, %swap3A_179], %swap3A_182 {strides = array<i32>} : memref<2x2x128xi32, #tpu.memory_space<vmem>>, vector<1x1x16xi32>,
    %get3A_183 = arith.constant 0 : i32
    %get3A_184 = arith.constant 1 : i32
    %get3A_185 = arith.index_cast %get3A_183 : i32 to index
    %get3A_186 = arith.index_cast %get3A_184 : i32 to index
    %get3A_187 = arith.constant 32 : index
    %get3A_188 = tpu.vector_load %arg5[%get3A_185, %get3A_186, %get3A_187] {strides = array<i32>} : memref<2x2x128xi32, #tpu.memory_space<vmem>>, vector<1x1x16xi32>,
    %get3A_189 = vector.shape_cast %get3A_188 : vector<1x1x16xi32> to vector<16xi32>
    %add3A_190 = arith.constant 1 : i32
    %add3A_191 = vector.broadcast %add3A_190 : i32 to vector<16xi32>
    %add3A_192 = arith.addi %get3A_189, %add3A_191 : vector<16xi32>
    %swap3A_193 = arith.constant 0 : i32
    %swap3A_194 = arith.constant 1 : i32
    %swap3A_195 = arith.index_cast %swap3A_193 : i32 to index
    %swap3A_196 = arith.index_cast %swap3A_194 : i32 to index
    %swap3A_197 = arith.constant 32 : index
    %swap3A_198 = tpu.vector_load %arg5[%swap3A_195, %swap3A_196, %swap3A_197] {strides = array<i32>} : memref<2x2x128xi32, #tpu.memory_space<vmem>>, vector<1x1x16xi32>,
    %swap3A_199 = vector.shape_cast %swap3A_198 : vector<1x1x16xi32> to vector<16xi32>
    %swap3A_200 = vector.shape_cast %add3A_192 : vector<16xi32> to vector<1x1x16xi32>
    tpu.vector_store %arg5[%swap3A_195, %swap3A_196, %swap3A_197], %swap3A_200 {strides = array<i32>} : memref<2x2x128xi32, #tpu.memory_space<vmem>>, vector<1x1x16xi32>,
    %get3A_201 = arith.constant 0 : i32
    %get3A_202 = arith.constant 1 : i32
    %get3A_203 = arith.index_cast %get3A_201 : i32 to index
    %get3A_204 = arith.index_cast %get3A_202 : i32 to index
    %get3A_205 = arith.constant 48 : index
    %get3A_206 = tpu.vector_load %arg5[%get3A_203, %get3A_204, %get3A_205] {strides = array<i32>} : memref<2x2x128xi32, #tpu.memory_space<vmem>>, vector<1x1x16xi32>,
    %get3A_207 = vector.shape_cast %get3A_206 : vector<1x1x16xi32> to vector<16xi32>
    %add3A_208 = arith.constant 1 : i32
    %add3A_209 = vector.broadcast %add3A_208 : i32 to vector<16xi32>
    %add3A_210 = arith.addi %get3A_207, %add3A_209 : vector<16xi32>
    %swap3A_211 = arith.constant 0 : i32
    %swap3A_212 = arith.constant 1 : i32
    %swap3A_213 = arith.index_cast %swap3A_211 : i32 to index
    %swap3A_214 = arith.index_cast %swap3A_212 : i32 to index
    %swap3A_215 = arith.constant 48 : index
    %swap3A_216 = tpu.vector_load %arg5[%swap3A_213, %swap3A_214, %swap3A_215] {strides = array<i32>} : memref<2x2x128xi32, #tpu.memory_space<vmem>>, vector<1x1x16xi32>,
    %swap3A_217 = vector.shape_cast %swap3A_216 : vector<1x1x16xi32> to vector<16xi32>
    %swap3A_218 = vector.shape_cast %add3A_210 : vector<16xi32> to vector<1x1x16xi32>
    tpu.vector_store %arg5[%swap3A_213, %swap3A_214, %swap3A_215], %swap3A_218 {strides = array<i32>} : memref<2x2x128xi32, #tpu.memory_space<vmem>>, vector<1x1x16xi32>,
    %get3A_219 = arith.constant 0 : i32
    %get3A_220 = arith.constant 1 : i32
    %get3A_221 = arith.index_cast %get3A_219 : i32 to index
    %get3A_222 = arith.index_cast %get3A_220 : i32 to index
    %get3A_223 = arith.constant 64 : index
    %get3A_224 = tpu.vector_load %arg5[%get3A_221, %get3A_222, %get3A_223] {strides = array<i32>} : memref<2x2x128xi32, #tpu.memory_space<vmem>>, vector<1x1x16xi32>,
    %get3A_225 = vector.shape_cast %get3A_224 : vector<1x1x16xi32> to vector<16xi32>
    %add3A_226 = arith.constant 1 : i32
    %add3A_227 = vector.broadcast %add3A_226 : i32 to vector<16xi32>
    %add3A_228 = arith.addi %get3A_225, %add3A_227 : vector<16xi32>
    %swap3A_229 = arith.constant 0 : i32
    %swap3A_230 = arith.constant 1 : i32
    %swap3A_231 = arith.index_cast %swap3A_229 : i32 to index
    %swap3A_232 = arith.index_cast %swap3A_230 : i32 to index
    %swap3A_233 = arith.constant 64 : index
    %swap3A_234 = tpu.vector_load %arg5[%swap3A_231, %swap3A_232, %swap3A_233] {strides = array<i32>} : memref<2x2x128xi32, #tpu.memory_space<vmem>>, vector<1x1x16xi32>,
    %swap3A_235 = vector.shape_cast %swap3A_234 : vector<1x1x16xi32> to vector<16xi32>
    %swap3A_236 = vector.shape_cast %add3A_228 : vector<16xi32> to vector<1x1x16xi32>
    tpu.vector_store %arg5[%swap3A_231, %swap3A_232, %swap3A_233], %swap3A_236 {strides = array<i32>} : memref<2x2x128xi32, #tpu.memory_space<vmem>>, vector<1x1x16xi32>,
    %get3A_237 = arith.constant 0 : i32
    %get3A_238 = arith.constant 1 : i32
    %get3A_239 = arith.index_cast %get3A_237 : i32 to index
    %get3A_240 = arith.index_cast %get3A_238 : i32 to index
    %get3A_241 = arith.constant 80 : index
    %get3A_242 = tpu.vector_load %arg5[%get3A_239, %get3A_240, %get3A_241] {strides = array<i32>} : memref<2x2x128xi32, #tpu.memory_space<vmem>>, vector<1x1x16xi32>,
    %get3A_243 = vector.shape_cast %get3A_242 : vector<1x1x16xi32> to vector<16xi32>
    %add3A_244 = arith.constant 1 : i32
    %add3A_245 = vector.broadcast %add3A_244 : i32 to vector<16xi32>
    %add3A_246 = arith.addi %get3A_243, %add3A_245 : vector<16xi32>
    %swap3A_247 = arith.constant 0 : i32
    %swap3A_248 = arith.constant 1 : i32
    %swap3A_249 = arith.index_cast %swap3A_247 : i32 to index
    %swap3A_250 = arith.index_cast %swap3A_248 : i32 to index
    %swap3A_251 = arith.constant 80 : index
    %swap3A_252 = tpu.vector_load %arg5[%swap3A_249, %swap3A_250, %swap3A_251] {strides = array<i32>} : memref<2x2x128xi32, #tpu.memory_space<vmem>>, vector<1x1x16xi32>,
    %swap3A_253 = vector.shape_cast %swap3A_252 : vector<1x1x16xi32> to vector<16xi32>
    %swap3A_254 = vector.shape_cast %add3A_246 : vector<16xi32> to vector<1x1x16xi32>
    tpu.vector_store %arg5[%swap3A_249, %swap3A_250, %swap3A_251], %swap3A_254 {strides = array<i32>} : memref<2x2x128xi32, #tpu.memory_space<vmem>>, vector<1x1x16xi32>,
    %get3A_255 = arith.constant 0 : i32
    %get3A_256 = arith.constant 1 : i32
    %get3A_257 = arith.index_cast %get3A_255 : i32 to index
    %get3A_258 = arith.index_cast %get3A_256 : i32 to index
    %get3A_259 = arith.constant 96 : index
    %get3A_260 = tpu.vector_load %arg5[%get3A_257, %get3A_258, %get3A_259] {strides = array<i32>} : memref<2x2x128xi32, #tpu.memory_space<vmem>>, vector<1x1x16xi32>,
    %get3A_261 = vector.shape_cast %get3A_260 : vector<1x1x16xi32> to vector<16xi32>
    %add3A_262 = arith.constant 1 : i32
    %add3A_263 = vector.broadcast %add3A_262 : i32 to vector<16xi32>
    %add3A_264 = arith.addi %get3A_261, %add3A_263 : vector<16xi32>
    %swap3A_265 = arith.constant 0 : i32
    %swap3A_266 = arith.constant 1 : i32
    %swap3A_267 = arith.index_cast %swap3A_265 : i32 to index
    %swap3A_268 = arith.index_cast %swap3A_266 : i32 to index
    %swap3A_269 = arith.constant 96 : index
    %swap3A_270 = tpu.vector_load %arg5[%swap3A_267, %swap3A_268, %swap3A_269] {strides = array<i32>} : memref<2x2x128xi32, #tpu.memory_space<vmem>>, vector<1x1x16xi32>,
    %swap3A_271 = vector.shape_cast %swap3A_270 : vector<1x1x16xi32> to vector<16xi32>
    %swap3A_272 = vector.shape_cast %add3A_264 : vector<16xi32> to vector<1x1x16xi32>
    tpu.vector_store %arg5[%swap3A_267, %swap3A_268, %swap3A_269], %swap3A_272 {strides = array<i32>} : memref<2x2x128xi32, #tpu.memory_space<vmem>>, vector<1x1x16xi32>,
    %get3A_273 = arith.constant 0 : i32
    %get3A_274 = arith.constant 1 : i32
    %get3A_275 = arith.index_cast %get3A_273 : i32 to index
    %get3A_276 = arith.index_cast %get3A_274 : i32 to index
    %get3A_277 = arith.constant 112 : index
    %get3A_278 = tpu.vector_load %arg5[%get3A_275, %get3A_276, %get3A_277] {strides = array<i32>} : memref<2x2x128xi32, #tpu.memory_space<vmem>>, vector<1x1x16xi32>,
    %get3A_279 = vector.shape_cast %get3A_278 : vector<1x1x16xi32> to vector<16xi32>
    %add3A_280 = arith.constant 1 : i32
    %add3A_281 = vector.broadcast %add3A_280 : i32 to vector<16xi32>
    %add3A_282 = arith.addi %get3A_279, %add3A_281 : vector<16xi32>
    %swap3A_283 = arith.constant 0 : i32
    %swap3A_284 = arith.constant 1 : i32
    %swap3A_285 = arith.index_cast %swap3A_283 : i32 to index
    %swap3A_286 = arith.index_cast %swap3A_284 : i32 to index
    %swap3A_287 = arith.constant 112 : index
    %swap3A_288 = tpu.vector_load %arg5[%swap3A_285, %swap3A_286, %swap3A_287] {strides = array<i32>} : memref<2x2x128xi32, #tpu.memory_space<vmem>>, vector<1x1x16xi32>,
    %swap3A_289 = vector.shape_cast %swap3A_288 : vector<1x1x16xi32> to vector<16xi32>
    %swap3A_290 = vector.shape_cast %add3A_282 : vector<16xi32> to vector<1x1x16xi32>
    tpu.vector_store %arg5[%swap3A_285, %swap3A_286, %swap3A_287], %swap3A_290 {strides = array<i32>} : memref<2x2x128xi32, #tpu.memory_space<vmem>>, vector<1x1x16xi32>,
    %dma_start3A = arith.constant 0 : i32
    %dma_start3A_291 = arith.constant 0 : i32
    %dma_start3A_292 = arith.constant 0 : i32
    %dma_start3A_293 = arith.constant 0 : i32
    %dma_start3A_294 = arith.constant 0 : i32
    %dma_start3A_295 = tpu.memref_slice %arg6[%dma_start3A_292, %dma_start3A_293, %dma_start3A_294] : memref<2x256x128xf32, #tpu.memory_space<vmem>> -> memref<1x256x128xf32, #tpu.memory_space<vmem>>
    %dma_start3A_296 = tpu.memref_squeeze %dma_start3A_295 : memref<1x256x128xf32, #tpu.memory_space<vmem>> -> memref<256x128xf32, #tpu.memory_space<vmem>>
    %dma_start3A_297 = arith.constant 0 : i32
    %dma_start3A_298 = arith.constant 0 : i32
    %dma_start3A_299 = tpu.memref_slice %dma_start3A_296[%dma_start3A_297, %dma_start3A_298] : memref<256x128xf32, #tpu.memory_space<vmem>> -> memref<128x128xf32, #tpu.memory_space<vmem>>
    %dma_start3A_300 = arith.constant 0 : i32
    %dma_start3A_301 = tpu.memref_slice %arg5[%dma_start3A, %dma_start3A_291, %dma_start3A_300] : memref<2x2x128xi32, #tpu.memory_space<vmem>> -> memref<1x1x128xi32, #tpu.memory_space<vmem>>
    %dma_start3A_302 = tpu.memref_squeeze %dma_start3A_301 : memref<1x1x128xi32, #tpu.memory_space<vmem>> -> memref<128xi32, #tpu.memory_space<vmem>>
    %dma_start3A_303 = arith.constant 0 : i32
    %dma_start3A_304 = arith.constant 0 : i32
    %dma_start3A_305 = tpu.memref_slice %arg3[%dma_start3A_303, %dma_start3A_304] : memref<1001x128xf32, #tpu.memory_space<hbm>> -> memref<1001x128xf32, #tpu.memory_space<hbm>>
    tpu.enqueue_indirect_dma source(%dma_start3A_305 : memref<1001x128xf32, #tpu.memory_space<hbm>>) target(%dma_start3A_299 : memref<128x128xf32, #tpu.memory_space<vmem>>) offsets(%dma_start3A_302 : memref<128xi32, #tpu.memory_space<vmem>>) semaphore(%arg7 : memref<!tpu.dma_semaphore, #tpu.memory_space<semaphore_mem>>)
    %dma_start3A_306 = arith.constant 0 : i32
    %dma_start3A_307 = arith.constant 1 : i32
    %dma_start3A_308 = arith.constant 0 : i32
    %dma_start3A_309 = arith.constant 0 : i32
    %dma_start3A_310 = arith.constant 0 : i32
    %dma_start3A_311 = tpu.memref_slice %arg6[%dma_start3A_308, %dma_start3A_309, %dma_start3A_310] : memref<2x256x128xf32, #tpu.memory_space<vmem>> -> memref<1x256x128xf32, #tpu.memory_space<vmem>>
    %dma_start3A_312 = tpu.memref_squeeze %dma_start3A_311 : memref<1x256x128xf32, #tpu.memory_space<vmem>> -> memref<256x128xf32, #tpu.memory_space<vmem>>
    %dma_start3A_313 = arith.constant 128 : i32
    %dma_start3A_314 = arith.constant 0 : i32
    %dma_start3A_315 = tpu.memref_slice %dma_start3A_312[%dma_start3A_313, %dma_start3A_314] : memref<256x128xf32, #tpu.memory_space<vmem>> -> memref<128x128xf32, #tpu.memory_space<vmem>>
    %dma_start3A_316 = arith.constant 0 : i32
    %dma_start3A_317 = tpu.memref_slice %arg5[%dma_start3A_306, %dma_start3A_307, %dma_start3A_316] : memref<2x2x128xi32, #tpu.memory_space<vmem>> -> memref<1x1x128xi32, #tpu.memory_space<vmem>>
    %dma_start3A_318 = tpu.memref_squeeze %dma_start3A_317 : memref<1x1x128xi32, #tpu.memory_space<vmem>> -> memref<128xi32, #tpu.memory_space<vmem>>
    %dma_start3A_319 = arith.constant 0 : i32
    %dma_start3A_320 = arith.constant 0 : i32
    %dma_start3A_321 = tpu.memref_slice %arg3[%dma_start3A_319, %dma_start3A_320] : memref<1001x128xf32, #tpu.memory_space<hbm>> -> memref<1001x128xf32, #tpu.memory_space<hbm>>
    tpu.enqueue_indirect_dma source(%dma_start3A_321 : memref<1001x128xf32, #tpu.memory_space<hbm>>) target(%dma_start3A_315 : memref<128x128xf32, #tpu.memory_space<vmem>>) offsets(%dma_start3A_318 : memref<128xi32, #tpu.memory_space<vmem>>) semaphore(%arg7 : memref<!tpu.dma_semaphore, #tpu.memory_space<semaphore_mem>>)
    %mul3A_322 = arith.constant 200 : i32
    %mul3A_323 = arith.muli %add3A, %mul3A_322 : i32
    %add3A_324 = arith.constant 2 : i32
    %add3A_325 = arith.addi %mul3A_323, %add3A_324 : i32
    %run_scoped3A_326 = arith.constant 1 : i32
    "tpu.region"() ({
      %run_scoped3A_782 = tpu.sem_alloc : memref<!tpu.dma_semaphore, #tpu.memory_space<semaphore_mem>>
      %dma_start3A_783 = arith.constant 0 : i32
      %dma_start3A_784 = arith.constant 0 : i32
      %dma_start3A_785 = tpu.memref_slice %arg5[%run_scoped3A_326, %dma_start3A_783, %dma_start3A_784] : memref<2x2x128xi32, #tpu.memory_space<vmem>> -> memref<1x2x128xi32, #tpu.memory_space<vmem>>
      %dma_start3A_786 = tpu.memref_squeeze %dma_start3A_785 : memref<1x2x128xi32, #tpu.memory_space<vmem>> -> memref<2x128xi32, #tpu.memory_space<vmem>>
      %dma_start3A_787 = arith.constant 0 : i32
      %dma_start3A_788 = tpu.memref_slice %arg2[%add3A_325, %dma_start3A_787] : memref<6400x128xi32, #tpu.memory_space<hbm>> -> memref<2x128xi32, #tpu.memory_space<hbm>>
      %dma_start3A_789 = arith.constant 0 : i32
      %dma_start3A_790 = arith.constant 0 : i32
      %dma_start3A_791 = tpu.memref_slice %arg5[%run_scoped3A_326, %dma_start3A_789, %dma_start3A_790] : memref<2x2x128xi32, #tpu.memory_space<vmem>> -> memref<1x2x128xi32, #tpu.memory_space<vmem>>
      %dma_start3A_792 = tpu.memref_squeeze %dma_start3A_791 : memref<1x2x128xi32, #tpu.memory_space<vmem>> -> memref<2x128xi32, #tpu.memory_space<vmem>>
      %dma_start3A_793 = arith.constant 0 : i32
      %dma_start3A_794 = tpu.memref_slice %arg2[%add3A_325, %dma_start3A_793] : memref<6400x128xi32, #tpu.memory_space<hbm>> -> memref<2x128xi32, #tpu.memory_space<hbm>>
      tpu.enqueue_dma source(%dma_start3A_794 : memref<2x128xi32, #tpu.memory_space<hbm>>) target(%dma_start3A_792 : memref<2x128xi32, #tpu.memory_space<vmem>>) target_semaphore(%run_scoped3A_782 : memref<!tpu.dma_semaphore, #tpu.memory_space<semaphore_mem>>)
      %dma_wait3A_795 = arith.constant 0 : i32
      %dma_wait3A_796 = arith.constant 0 : i32
      %dma_wait3A_797 = tpu.memref_slice %arg5[%run_scoped3A_326, %dma_wait3A_795, %dma_wait3A_796] : memref<2x2x128xi32, #tpu.memory_space<vmem>> -> memref<1x2x128xi32, #tpu.memory_space<vmem>>
      %dma_wait3A_798 = tpu.memref_squeeze %dma_wait3A_797 : memref<1x2x128xi32, #tpu.memory_space<vmem>> -> memref<2x128xi32, #tpu.memory_space<vmem>>
      %dma_wait3A_799 = arith.constant 0 : i32
      %dma_wait3A_800 = tpu.memref_slice %arg2[%add3A_325, %dma_wait3A_799] : memref<6400x128xi32, #tpu.memory_space<hbm>> -> memref<2x128xi32, #tpu.memory_space<hbm>>
      %dma_wait3A_801 = arith.constant 0 : i32
      %dma_wait3A_802 = arith.constant 0 : i32
      %dma_wait3A_803 = tpu.memref_slice %arg5[%run_scoped3A_326, %dma_wait3A_801, %dma_wait3A_802] : memref<2x2x128xi32, #tpu.memory_space<vmem>> -> memref<1x2x128xi32, #tpu.memory_space<vmem>>
      %dma_wait3A_804 = tpu.memref_squeeze %dma_wait3A_803 : memref<1x2x128xi32, #tpu.memory_space<vmem>> -> memref<2x128xi32, #tpu.memory_space<vmem>>
      %dma_wait3A_805 = arith.constant 0 : i32
      %dma_wait3A_806 = tpu.memref_slice %arg2[%add3A_325, %dma_wait3A_805] : memref<6400x128xi32, #tpu.memory_space<hbm>> -> memref<2x128xi32, #tpu.memory_space<hbm>>
      tpu.wait_dma2 semaphore(%run_scoped3A_782 : memref<!tpu.dma_semaphore, #tpu.memory_space<semaphore_mem>>) src(%dma_wait3A_806 : memref<2x128xi32, #tpu.memory_space<hbm>>) dst(%dma_wait3A_804 : memref<2x128xi32, #tpu.memory_space<vmem>>)
      tpu.yield
    }) : () -> ()
    %get3A_327 = arith.constant 1 : i32
    %get3A_328 = arith.constant 0 : i32
    %get3A_329 = arith.index_cast %get3A_327 : i32 to index
    %get3A_330 = arith.index_cast %get3A_328 : i32 to index
    %get3A_331 = arith.constant 0 : index
    %get3A_332 = tpu.vector_load %arg5[%get3A_329, %get3A_330, %get3A_331] {strides = array<i32>} : memref<2x2x128xi32, #tpu.memory_space<vmem>>, vector<1x1x16xi32>,
    %get3A_333 = vector.shape_cast %get3A_332 : vector<1x1x16xi32> to vector<16xi32>
    %add3A_334 = arith.constant 1 : i32
    %add3A_335 = vector.broadcast %add3A_334 : i32 to vector<16xi32>
    %add3A_336 = arith.addi %get3A_333, %add3A_335 : vector<16xi32>
    %swap3A_337 = arith.constant 1 : i32
    %swap3A_338 = arith.constant 0 : i32
    %swap3A_339 = arith.index_cast %swap3A_337 : i32 to index
    %swap3A_340 = arith.index_cast %swap3A_338 : i32 to index
    %swap3A_341 = arith.constant 0 : index
    %swap3A_342 = tpu.vector_load %arg5[%swap3A_339, %swap3A_340, %swap3A_341] {strides = array<i32>} : memref<2x2x128xi32, #tpu.memory_space<vmem>>, vector<1x1x16xi32>,
    %swap3A_343 = vector.shape_cast %swap3A_342 : vector<1x1x16xi32> to vector<16xi32>
    %swap3A_344 = vector.shape_cast %add3A_336 : vector<16xi32> to vector<1x1x16xi32>
    tpu.vector_store %arg5[%swap3A_339, %swap3A_340, %swap3A_341], %swap3A_344 {strides = array<i32>} : memref<2x2x128xi32, #tpu.memory_space<vmem>>, vector<1x1x16xi32>,
    %get3A_345 = arith.constant 1 : i32
    %get3A_346 = arith.constant 0 : i32
    %get3A_347 = arith.index_cast %get3A_345 : i32 to index
    %get3A_348 = arith.index_cast %get3A_346 : i32 to index
    %get3A_349 = arith.constant 16 : index
    %get3A_350 = tpu.vector_load %arg5[%get3A_347, %get3A_348, %get3A_349] {strides = array<i32>} : memref<2x2x128xi32, #tpu.memory_space<vmem>>, vector<1x1x16xi32>,
    %get3A_351 = vector.shape_cast %get3A_350 : vector<1x1x16xi32> to vector<16xi32>
    %add3A_352 = arith.constant 1 : i32
    %add3A_353 = vector.broadcast %add3A_352 : i32 to vector<16xi32>
    %add3A_354 = arith.addi %get3A_351, %add3A_353 : vector<16xi32>
    %swap3A_355 = arith.constant 1 : i32
    %swap3A_356 = arith.constant 0 : i32
    %swap3A_357 = arith.index_cast %swap3A_355 : i32 to index
    %swap3A_358 = arith.index_cast %swap3A_356 : i32 to index
    %swap3A_359 = arith.constant 16 : index
    %swap3A_360 = tpu.vector_load %arg5[%swap3A_357, %swap3A_358, %swap3A_359] {strides = array<i32>} : memref<2x2x128xi32, #tpu.memory_space<vmem>>, vector<1x1x16xi32>,
    %swap3A_361 = vector.shape_cast %swap3A_360 : vector<1x1x16xi32> to vector<16xi32>
    %swap3A_362 = vector.shape_cast %add3A_354 : vector<16xi32> to vector<1x1x16xi32>
    tpu.vector_store %arg5[%swap3A_357, %swap3A_358, %swap3A_359], %swap3A_362 {strides = array<i32>} : memref<2x2x128xi32, #tpu.memory_space<vmem>>, vector<1x1x16xi32>,
    %get3A_363 = arith.constant 1 : i32
    %get3A_364 = arith.constant 0 : i32
    %get3A_365 = arith.index_cast %get3A_363 : i32 to index
    %get3A_366 = arith.index_cast %get3A_364 : i32 to index
    %get3A_367 = arith.constant 32 : index
    %get3A_368 = tpu.vector_load %arg5[%get3A_365, %get3A_366, %get3A_367] {strides = array<i32>} : memref<2x2x128xi32, #tpu.memory_space<vmem>>, vector<1x1x16xi32>,
    %get3A_369 = vector.shape_cast %get3A_368 : vector<1x1x16xi32> to vector<16xi32>
    %add3A_370 = arith.constant 1 : i32
    %add3A_371 = vector.broadcast %add3A_370 : i32 to vector<16xi32>
    %add3A_372 = arith.addi %get3A_369, %add3A_371 : vector<16xi32>
    %swap3A_373 = arith.constant 1 : i32
    %swap3A_374 = arith.constant 0 : i32
    %swap3A_375 = arith.index_cast %swap3A_373 : i32 to index
    %swap3A_376 = arith.index_cast %swap3A_374 : i32 to index
    %swap3A_377 = arith.constant 32 : index
    %swap3A_378 = tpu.vector_load %arg5[%swap3A_375, %swap3A_376, %swap3A_377] {strides = array<i32>} : memref<2x2x128xi32, #tpu.memory_space<vmem>>, vector<1x1x16xi32>,
    %swap3A_379 = vector.shape_cast %swap3A_378 : vector<1x1x16xi32> to vector<16xi32>
    %swap3A_380 = vector.shape_cast %add3A_372 : vector<16xi32> to vector<1x1x16xi32>
    tpu.vector_store %arg5[%swap3A_375, %swap3A_376, %swap3A_377], %swap3A_380 {strides = array<i32>} : memref<2x2x128xi32, #tpu.memory_space<vmem>>, vector<1x1x16xi32>,
    %get3A_381 = arith.constant 1 : i32
    %get3A_382 = arith.constant 0 : i32
    %get3A_383 = arith.index_cast %get3A_381 : i32 to index
    %get3A_384 = arith.index_cast %get3A_382 : i32 to index
    %get3A_385 = arith.constant 48 : index
    %get3A_386 = tpu.vector_load %arg5[%get3A_383, %get3A_384, %get3A_385] {strides = array<i32>} : memref<2x2x128xi32, #tpu.memory_space<vmem>>, vector<1x1x16xi32>,
    %get3A_387 = vector.shape_cast %get3A_386 : vector<1x1x16xi32> to vector<16xi32>
    %add3A_388 = arith.constant 1 : i32
    %add3A_389 = vector.broadcast %add3A_388 : i32 to vector<16xi32>
    %add3A_390 = arith.addi %get3A_387, %add3A_389 : vector<16xi32>
    %swap3A_391 = arith.constant 1 : i32
    %swap3A_392 = arith.constant 0 : i32
    %swap3A_393 = arith.index_cast %swap3A_391 : i32 to index
    %swap3A_394 = arith.index_cast %swap3A_392 : i32 to index
    %swap3A_395 = arith.constant 48 : index
    %swap3A_396 = tpu.vector_load %arg5[%swap3A_393, %swap3A_394, %swap3A_395] {strides = array<i32>} : memref<2x2x128xi32, #tpu.memory_space<vmem>>, vector<1x1x16xi32>,
    %swap3A_397 = vector.shape_cast %swap3A_396 : vector<1x1x16xi32> to vector<16xi32>
    %swap3A_398 = vector.shape_cast %add3A_390 : vector<16xi32> to vector<1x1x16xi32>
    tpu.vector_store %arg5[%swap3A_393, %swap3A_394, %swap3A_395], %swap3A_398 {strides = array<i32>} : memref<2x2x128xi32, #tpu.memory_space<vmem>>, vector<1x1x16xi32>,
    %get3A_399 = arith.constant 1 : i32
    %get3A_400 = arith.constant 0 : i32
    %get3A_401 = arith.index_cast %get3A_399 : i32 to index
    %get3A_402 = arith.index_cast %get3A_400 : i32 to index
    %get3A_403 = arith.constant 64 : index
    %get3A_404 = tpu.vector_load %arg5[%get3A_401, %get3A_402, %get3A_403] {strides = array<i32>} : memref<2x2x128xi32, #tpu.memory_space<vmem>>, vector<1x1x16xi32>,
    %get3A_405 = vector.shape_cast %get3A_404 : vector<1x1x16xi32> to vector<16xi32>
    %add3A_406 = arith.constant 1 : i32
    %add3A_407 = vector.broadcast %add3A_406 : i32 to vector<16xi32>
    %add3A_408 = arith.addi %get3A_405, %add3A_407 : vector<16xi32>
    %swap3A_409 = arith.constant 1 : i32
    %swap3A_410 = arith.constant 0 : i32
    %swap3A_411 = arith.index_cast %swap3A_409 : i32 to index
    %swap3A_412 = arith.index_cast %swap3A_410 : i32 to index
    %swap3A_413 = arith.constant 64 : index
    %swap3A_414 = tpu.vector_load %arg5[%swap3A_411, %swap3A_412, %swap3A_413] {strides = array<i32>} : memref<2x2x128xi32, #tpu.memory_space<vmem>>, vector<1x1x16xi32>,
    %swap3A_415 = vector.shape_cast %swap3A_414 : vector<1x1x16xi32> to vector<16xi32>
    %swap3A_416 = vector.shape_cast %add3A_408 : vector<16xi32> to vector<1x1x16xi32>
    tpu.vector_store %arg5[%swap3A_411, %swap3A_412, %swap3A_413], %swap3A_416 {strides = array<i32>} : memref<2x2x128xi32, #tpu.memory_space<vmem>>, vector<1x1x16xi32>,
    %get3A_417 = arith.constant 1 : i32
    %get3A_418 = arith.constant 0 : i32
    %get3A_419 = arith.index_cast %get3A_417 : i32 to index
    %get3A_420 = arith.index_cast %get3A_418 : i32 to index
    %get3A_421 = arith.constant 80 : index
    %get3A_422 = tpu.vector_load %arg5[%get3A_419, %get3A_420, %get3A_421] {strides = array<i32>} : memref<2x2x128xi32, #tpu.memory_space<vmem>>, vector<1x1x16xi32>,
    %get3A_423 = vector.shape_cast %get3A_422 : vector<1x1x16xi32> to vector<16xi32>
    %add3A_424 = arith.constant 1 : i32
    %add3A_425 = vector.broadcast %add3A_424 : i32 to vector<16xi32>
    %add3A_426 = arith.addi %get3A_423, %add3A_425 : vector<16xi32>
    %swap3A_427 = arith.constant 1 : i32
    %swap3A_428 = arith.constant 0 : i32
    %swap3A_429 = arith.index_cast %swap3A_427 : i32 to index
    %swap3A_430 = arith.index_cast %swap3A_428 : i32 to index
    %swap3A_431 = arith.constant 80 : index
    %swap3A_432 = tpu.vector_load %arg5[%swap3A_429, %swap3A_430, %swap3A_431] {strides = array<i32>} : memref<2x2x128xi32, #tpu.memory_space<vmem>>, vector<1x1x16xi32>,
    %swap3A_433 = vector.shape_cast %swap3A_432 : vector<1x1x16xi32> to vector<16xi32>
    %swap3A_434 = vector.shape_cast %add3A_426 : vector<16xi32> to vector<1x1x16xi32>
    tpu.vector_store %arg5[%swap3A_429, %swap3A_430, %swap3A_431], %swap3A_434 {strides = array<i32>} : memref<2x2x128xi32, #tpu.memory_space<vmem>>, vector<1x1x16xi32>,
    %get3A_435 = arith.constant 1 : i32
    %get3A_436 = arith.constant 0 : i32
    %get3A_437 = arith.index_cast %get3A_435 : i32 to index
    %get3A_438 = arith.index_cast %get3A_436 : i32 to index
    %get3A_439 = arith.constant 96 : index
    %get3A_440 = tpu.vector_load %arg5[%get3A_437, %get3A_438, %get3A_439] {strides = array<i32>} : memref<2x2x128xi32, #tpu.memory_space<vmem>>, vector<1x1x16xi32>,
    %get3A_441 = vector.shape_cast %get3A_440 : vector<1x1x16xi32> to vector<16xi32>
    %add3A_442 = arith.constant 1 : i32
    %add3A_443 = vector.broadcast %add3A_442 : i32 to vector<16xi32>
    %add3A_444 = arith.addi %get3A_441, %add3A_443 : vector<16xi32>
    %swap3A_445 = arith.constant 1 : i32
    %swap3A_446 = arith.constant 0 : i32
    %swap3A_447 = arith.index_cast %swap3A_445 : i32 to index
    %swap3A_448 = arith.index_cast %swap3A_446 : i32 to index
    %swap3A_449 = arith.constant 96 : index
    %swap3A_450 = tpu.vector_load %arg5[%swap3A_447, %swap3A_448, %swap3A_449] {strides = array<i32>} : memref<2x2x128xi32, #tpu.memory_space<vmem>>, vector<1x1x16xi32>,
    %swap3A_451 = vector.shape_cast %swap3A_450 : vector<1x1x16xi32> to vector<16xi32>
    %swap3A_452 = vector.shape_cast %add3A_444 : vector<16xi32> to vector<1x1x16xi32>
    tpu.vector_store %arg5[%swap3A_447, %swap3A_448, %swap3A_449], %swap3A_452 {strides = array<i32>} : memref<2x2x128xi32, #tpu.memory_space<vmem>>, vector<1x1x16xi32>,
    %get3A_453 = arith.constant 1 : i32
    %get3A_454 = arith.constant 0 : i32
    %get3A_455 = arith.index_cast %get3A_453 : i32 to index
    %get3A_456 = arith.index_cast %get3A_454 : i32 to index
    %get3A_457 = arith.constant 112 : index
    %get3A_458 = tpu.vector_load %arg5[%get3A_455, %get3A_456, %get3A_457] {strides = array<i32>} : memref<2x2x128xi32, #tpu.memory_space<vmem>>, vector<1x1x16xi32>,
    %get3A_459 = vector.shape_cast %get3A_458 : vector<1x1x16xi32> to vector<16xi32>
    %add3A_460 = arith.constant 1 : i32
    %add3A_461 = vector.broadcast %add3A_460 : i32 to vector<16xi32>
    %add3A_462 = arith.addi %get3A_459, %add3A_461 : vector<16xi32>
    %swap3A_463 = arith.constant 1 : i32
    %swap3A_464 = arith.constant 0 : i32
    %swap3A_465 = arith.index_cast %swap3A_463 : i32 to index
    %swap3A_466 = arith.index_cast %swap3A_464 : i32 to index
    %swap3A_467 = arith.constant 112 : index
    %swap3A_468 = tpu.vector_load %arg5[%swap3A_465, %swap3A_466, %swap3A_467] {strides = array<i32>} : memref<2x2x128xi32, #tpu.memory_space<vmem>>, vector<1x1x16xi32>,
    %swap3A_469 = vector.shape_cast %swap3A_468 : vector<1x1x16xi32> to vector<16xi32>
    %swap3A_470 = vector.shape_cast %add3A_462 : vector<16xi32> to vector<1x1x16xi32>
    tpu.vector_store %arg5[%swap3A_465, %swap3A_466, %swap3A_467], %swap3A_470 {strides = array<i32>} : memref<2x2x128xi32, #tpu.memory_space<vmem>>, vector<1x1x16xi32>,
    %get3A_471 = arith.constant 1 : i32
    %get3A_472 = arith.constant 1 : i32
    %get3A_473 = arith.index_cast %get3A_471 : i32 to index
    %get3A_474 = arith.index_cast %get3A_472 : i32 to index
    %get3A_475 = arith.constant 0 : index
    %get3A_476 = tpu.vector_load %arg5[%get3A_473, %get3A_474, %get3A_475] {strides = array<i32>} : memref<2x2x128xi32, #tpu.memory_space<vmem>>, vector<1x1x16xi32>,
    %get3A_477 = vector.shape_cast %get3A_476 : vector<1x1x16xi32> to vector<16xi32>
    %add3A_478 = arith.constant 1 : i32
    %add3A_479 = vector.broadcast %add3A_478 : i32 to vector<16xi32>
    %add3A_480 = arith.addi %get3A_477, %add3A_479 : vector<16xi32>
    %swap3A_481 = arith.constant 1 : i32
    %swap3A_482 = arith.constant 1 : i32
    %swap3A_483 = arith.index_cast %swap3A_481 : i32 to index
    %swap3A_484 = arith.index_cast %swap3A_482 : i32 to index
    %swap3A_485 = arith.constant 0 : index
    %swap3A_486 = tpu.vector_load %arg5[%swap3A_483, %swap3A_484, %swap3A_485] {strides = array<i32>} : memref<2x2x128xi32, #tpu.memory_space<vmem>>, vector<1x1x16xi32>,
    %swap3A_487 = vector.shape_cast %swap3A_486 : vector<1x1x16xi32> to vector<16xi32>
    %swap3A_488 = vector.shape_cast %add3A_480 : vector<16xi32> to vector<1x1x16xi32>
    tpu.vector_store %arg5[%swap3A_483, %swap3A_484, %swap3A_485], %swap3A_488 {strides = array<i32>} : memref<2x2x128xi32, #tpu.memory_space<vmem>>, vector<1x1x16xi32>,
    %get3A_489 = arith.constant 1 : i32
    %get3A_490 = arith.constant 1 : i32
    %get3A_491 = arith.index_cast %get3A_489 : i32 to index
    %get3A_492 = arith.index_cast %get3A_490 : i32 to index
    %get3A_493 = arith.constant 16 : index
    %get3A_494 = tpu.vector_load %arg5[%get3A_491, %get3A_492, %get3A_493] {strides = array<i32>} : memref<2x2x128xi32, #tpu.memory_space<vmem>>, vector<1x1x16xi32>,
    %get3A_495 = vector.shape_cast %get3A_494 : vector<1x1x16xi32> to vector<16xi32>
    %add3A_496 = arith.constant 1 : i32
    %add3A_497 = vector.broadcast %add3A_496 : i32 to vector<16xi32>
    %add3A_498 = arith.addi %get3A_495, %add3A_497 : vector<16xi32>
    %swap3A_499 = arith.constant 1 : i32
    %swap3A_500 = arith.constant 1 : i32
    %swap3A_501 = arith.index_cast %swap3A_499 : i32 to index
    %swap3A_502 = arith.index_cast %swap3A_500 : i32 to index
    %swap3A_503 = arith.constant 16 : index
    %swap3A_504 = tpu.vector_load %arg5[%swap3A_501, %swap3A_502, %swap3A_503] {strides = array<i32>} : memref<2x2x128xi32, #tpu.memory_space<vmem>>, vector<1x1x16xi32>,
    %swap3A_505 = vector.shape_cast %swap3A_504 : vector<1x1x16xi32> to vector<16xi32>
    %swap3A_506 = vector.shape_cast %add3A_498 : vector<16xi32> to vector<1x1x16xi32>
    tpu.vector_store %arg5[%swap3A_501, %swap3A_502, %swap3A_503], %swap3A_506 {strides = array<i32>} : memref<2x2x128xi32, #tpu.memory_space<vmem>>, vector<1x1x16xi32>,
    %get3A_507 = arith.constant 1 : i32
    %get3A_508 = arith.constant 1 : i32
    %get3A_509 = arith.index_cast %get3A_507 : i32 to index
    %get3A_510 = arith.index_cast %get3A_508 : i32 to index
    %get3A_511 = arith.constant 32 : index
    %get3A_512 = tpu.vector_load %arg5[%get3A_509, %get3A_510, %get3A_511] {strides = array<i32>} : memref<2x2x128xi32, #tpu.memory_space<vmem>>, vector<1x1x16xi32>,
    %get3A_513 = vector.shape_cast %get3A_512 : vector<1x1x16xi32> to vector<16xi32>
    %add3A_514 = arith.constant 1 : i32
    %add3A_515 = vector.broadcast %add3A_514 : i32 to vector<16xi32>
    %add3A_516 = arith.addi %get3A_513, %add3A_515 : vector<16xi32>
    %swap3A_517 = arith.constant 1 : i32
    %swap3A_518 = arith.constant 1 : i32
    %swap3A_519 = arith.index_cast %swap3A_517 : i32 to index
    %swap3A_520 = arith.index_cast %swap3A_518 : i32 to index
    %swap3A_521 = arith.constant 32 : index
    %swap3A_522 = tpu.vector_load %arg5[%swap3A_519, %swap3A_520, %swap3A_521] {strides = array<i32>} : memref<2x2x128xi32, #tpu.memory_space<vmem>>, vector<1x1x16xi32>,
    %swap3A_523 = vector.shape_cast %swap3A_522 : vector<1x1x16xi32> to vector<16xi32>
    %swap3A_524 = vector.shape_cast %add3A_516 : vector<16xi32> to vector<1x1x16xi32>
    tpu.vector_store %arg5[%swap3A_519, %swap3A_520, %swap3A_521], %swap3A_524 {strides = array<i32>} : memref<2x2x128xi32, #tpu.memory_space<vmem>>, vector<1x1x16xi32>,
    %get3A_525 = arith.constant 1 : i32
    %get3A_526 = arith.constant 1 : i32
    %get3A_527 = arith.index_cast %get3A_525 : i32 to index
    %get3A_528 = arith.index_cast %get3A_526 : i32 to index
    %get3A_529 = arith.constant 48 : index
    %get3A_530 = tpu.vector_load %arg5[%get3A_527, %get3A_528, %get3A_529] {strides = array<i32>} : memref<2x2x128xi32, #tpu.memory_space<vmem>>, vector<1x1x16xi32>,
    %get3A_531 = vector.shape_cast %get3A_530 : vector<1x1x16xi32> to vector<16xi32>
    %add3A_532 = arith.constant 1 : i32
    %add3A_533 = vector.broadcast %add3A_532 : i32 to vector<16xi32>
    %add3A_534 = arith.addi %get3A_531, %add3A_533 : vector<16xi32>
    %swap3A_535 = arith.constant 1 : i32
    %swap3A_536 = arith.constant 1 : i32
    %swap3A_537 = arith.index_cast %swap3A_535 : i32 to index
    %swap3A_538 = arith.index_cast %swap3A_536 : i32 to index
    %swap3A_539 = arith.constant 48 : index
    %swap3A_540 = tpu.vector_load %arg5[%swap3A_537, %swap3A_538, %swap3A_539] {strides = array<i32>} : memref<2x2x128xi32, #tpu.memory_space<vmem>>, vector<1x1x16xi32>,
    %swap3A_541 = vector.shape_cast %swap3A_540 : vector<1x1x16xi32> to vector<16xi32>
    %swap3A_542 = vector.shape_cast %add3A_534 : vector<16xi32> to vector<1x1x16xi32>
    tpu.vector_store %arg5[%swap3A_537, %swap3A_538, %swap3A_539], %swap3A_542 {strides = array<i32>} : memref<2x2x128xi32, #tpu.memory_space<vmem>>, vector<1x1x16xi32>,
    %get3A_543 = arith.constant 1 : i32
    %get3A_544 = arith.constant 1 : i32
    %get3A_545 = arith.index_cast %get3A_543 : i32 to index
    %get3A_546 = arith.index_cast %get3A_544 : i32 to index
    %get3A_547 = arith.constant 64 : index
    %get3A_548 = tpu.vector_load %arg5[%get3A_545, %get3A_546, %get3A_547] {strides = array<i32>} : memref<2x2x128xi32, #tpu.memory_space<vmem>>, vector<1x1x16xi32>,
    %get3A_549 = vector.shape_cast %get3A_548 : vector<1x1x16xi32> to vector<16xi32>
    %add3A_550 = arith.constant 1 : i32
    %add3A_551 = vector.broadcast %add3A_550 : i32 to vector<16xi32>
    %add3A_552 = arith.addi %get3A_549, %add3A_551 : vector<16xi32>
    %swap3A_553 = arith.constant 1 : i32
    %swap3A_554 = arith.constant 1 : i32
    %swap3A_555 = arith.index_cast %swap3A_553 : i32 to index
    %swap3A_556 = arith.index_cast %swap3A_554 : i32 to index
    %swap3A_557 = arith.constant 64 : index
    %swap3A_558 = tpu.vector_load %arg5[%swap3A_555, %swap3A_556, %swap3A_557] {strides = array<i32>} : memref<2x2x128xi32, #tpu.memory_space<vmem>>, vector<1x1x16xi32>,
    %swap3A_559 = vector.shape_cast %swap3A_558 : vector<1x1x16xi32> to vector<16xi32>
    %swap3A_560 = vector.shape_cast %add3A_552 : vector<16xi32> to vector<1x1x16xi32>
    tpu.vector_store %arg5[%swap3A_555, %swap3A_556, %swap3A_557], %swap3A_560 {strides = array<i32>} : memref<2x2x128xi32, #tpu.memory_space<vmem>>, vector<1x1x16xi32>,
    %get3A_561 = arith.constant 1 : i32
    %get3A_562 = arith.constant 1 : i32
    %get3A_563 = arith.index_cast %get3A_561 : i32 to index
    %get3A_564 = arith.index_cast %get3A_562 : i32 to index
    %get3A_565 = arith.constant 80 : index
    %get3A_566 = tpu.vector_load %arg5[%get3A_563, %get3A_564, %get3A_565] {strides = array<i32>} : memref<2x2x128xi32, #tpu.memory_space<vmem>>, vector<1x1x16xi32>,
    %get3A_567 = vector.shape_cast %get3A_566 : vector<1x1x16xi32> to vector<16xi32>
    %add3A_568 = arith.constant 1 : i32
    %add3A_569 = vector.broadcast %add3A_568 : i32 to vector<16xi32>
    %add3A_570 = arith.addi %get3A_567, %add3A_569 : vector<16xi32>
    %swap3A_571 = arith.constant 1 : i32
    %swap3A_572 = arith.constant 1 : i32
    %swap3A_573 = arith.index_cast %swap3A_571 : i32 to index
    %swap3A_574 = arith.index_cast %swap3A_572 : i32 to index
    %swap3A_575 = arith.constant 80 : index
    %swap3A_576 = tpu.vector_load %arg5[%swap3A_573, %swap3A_574, %swap3A_575] {strides = array<i32>} : memref<2x2x128xi32, #tpu.memory_space<vmem>>, vector<1x1x16xi32>,
    %swap3A_577 = vector.shape_cast %swap3A_576 : vector<1x1x16xi32> to vector<16xi32>
    %swap3A_578 = vector.shape_cast %add3A_570 : vector<16xi32> to vector<1x1x16xi32>
    tpu.vector_store %arg5[%swap3A_573, %swap3A_574, %swap3A_575], %swap3A_578 {strides = array<i32>} : memref<2x2x128xi32, #tpu.memory_space<vmem>>, vector<1x1x16xi32>,
    %get3A_579 = arith.constant 1 : i32
    %get3A_580 = arith.constant 1 : i32
    %get3A_581 = arith.index_cast %get3A_579 : i32 to index
    %get3A_582 = arith.index_cast %get3A_580 : i32 to index
    %get3A_583 = arith.constant 96 : index
    %get3A_584 = tpu.vector_load %arg5[%get3A_581, %get3A_582, %get3A_583] {strides = array<i32>} : memref<2x2x128xi32, #tpu.memory_space<vmem>>, vector<1x1x16xi32>,
    %get3A_585 = vector.shape_cast %get3A_584 : vector<1x1x16xi32> to vector<16xi32>
    %add3A_586 = arith.constant 1 : i32
    %add3A_587 = vector.broadcast %add3A_586 : i32 to vector<16xi32>
    %add3A_588 = arith.addi %get3A_585, %add3A_587 : vector<16xi32>
    %swap3A_589 = arith.constant 1 : i32
    %swap3A_590 = arith.constant 1 : i32
    %swap3A_591 = arith.index_cast %swap3A_589 : i32 to index
    %swap3A_592 = arith.index_cast %swap3A_590 : i32 to index
    %swap3A_593 = arith.constant 96 : index
    %swap3A_594 = tpu.vector_load %arg5[%swap3A_591, %swap3A_592, %swap3A_593] {strides = array<i32>} : memref<2x2x128xi32, #tpu.memory_space<vmem>>, vector<1x1x16xi32>,
    %swap3A_595 = vector.shape_cast %swap3A_594 : vector<1x1x16xi32> to vector<16xi32>
    %swap3A_596 = vector.shape_cast %add3A_588 : vector<16xi32> to vector<1x1x16xi32>
    tpu.vector_store %arg5[%swap3A_591, %swap3A_592, %swap3A_593], %swap3A_596 {strides = array<i32>} : memref<2x2x128xi32, #tpu.memory_space<vmem>>, vector<1x1x16xi32>,
    %get3A_597 = arith.constant 1 : i32
    %get3A_598 = arith.constant 1 : i32
    %get3A_599 = arith.index_cast %get3A_597 : i32 to index
    %get3A_600 = arith.index_cast %get3A_598 : i32 to index
    %get3A_601 = arith.constant 112 : index
    %get3A_602 = tpu.vector_load %arg5[%get3A_599, %get3A_600, %get3A_601] {strides = array<i32>} : memref<2x2x128xi32, #tpu.memory_space<vmem>>, vector<1x1x16xi32>,
    %get3A_603 = vector.shape_cast %get3A_602 : vector<1x1x16xi32> to vector<16xi32>
    %add3A_604 = arith.constant 1 : i32
    %add3A_605 = vector.broadcast %add3A_604 : i32 to vector<16xi32>
    %add3A_606 = arith.addi %get3A_603, %add3A_605 : vector<16xi32>
    %swap3A_607 = arith.constant 1 : i32
    %swap3A_608 = arith.constant 1 : i32
    %swap3A_609 = arith.index_cast %swap3A_607 : i32 to index
    %swap3A_610 = arith.index_cast %swap3A_608 : i32 to index
    %swap3A_611 = arith.constant 112 : index
    %swap3A_612 = tpu.vector_load %arg5[%swap3A_609, %swap3A_610, %swap3A_611] {strides = array<i32>} : memref<2x2x128xi32, #tpu.memory_space<vmem>>, vector<1x1x16xi32>,
    %swap3A_613 = vector.shape_cast %swap3A_612 : vector<1x1x16xi32> to vector<16xi32>
    %swap3A_614 = vector.shape_cast %add3A_606 : vector<16xi32> to vector<1x1x16xi32>
    tpu.vector_store %arg5[%swap3A_609, %swap3A_610, %swap3A_611], %swap3A_614 {strides = array<i32>} : memref<2x2x128xi32, #tpu.memory_space<vmem>>, vector<1x1x16xi32>,
    %dma_start3A_615 = arith.constant 1 : i32
    %dma_start3A_616 = arith.constant 0 : i32
    %dma_start3A_617 = arith.constant 1 : i32
    %dma_start3A_618 = arith.constant 0 : i32
    %dma_start3A_619 = arith.constant 0 : i32
    %dma_start3A_620 = tpu.memref_slice %arg6[%dma_start3A_617, %dma_start3A_618, %dma_start3A_619] : memref<2x256x128xf32, #tpu.memory_space<vmem>> -> memref<1x256x128xf32, #tpu.memory_space<vmem>>
    %dma_start3A_621 = tpu.memref_squeeze %dma_start3A_620 : memref<1x256x128xf32, #tpu.memory_space<vmem>> -> memref<256x128xf32, #tpu.memory_space<vmem>>
    %dma_start3A_622 = arith.constant 0 : i32
    %dma_start3A_623 = arith.constant 0 : i32
    %dma_start3A_624 = tpu.memref_slice %dma_start3A_621[%dma_start3A_622, %dma_start3A_623] : memref<256x128xf32, #tpu.memory_space<vmem>> -> memref<128x128xf32, #tpu.memory_space<vmem>>
    %dma_start3A_625 = arith.constant 0 : i32
    %dma_start3A_626 = tpu.memref_slice %arg5[%dma_start3A_615, %dma_start3A_616, %dma_start3A_625] : memref<2x2x128xi32, #tpu.memory_space<vmem>> -> memref<1x1x128xi32, #tpu.memory_space<vmem>>
    %dma_start3A_627 = tpu.memref_squeeze %dma_start3A_626 : memref<1x1x128xi32, #tpu.memory_space<vmem>> -> memref<128xi32, #tpu.memory_space<vmem>>
    %dma_start3A_628 = arith.constant 0 : i32
    %dma_start3A_629 = arith.constant 0 : i32
    %dma_start3A_630 = tpu.memref_slice %arg3[%dma_start3A_628, %dma_start3A_629] : memref<1001x128xf32, #tpu.memory_space<hbm>> -> memref<1001x128xf32, #tpu.memory_space<hbm>>
    tpu.enqueue_indirect_dma source(%dma_start3A_630 : memref<1001x128xf32, #tpu.memory_space<hbm>>) target(%dma_start3A_624 : memref<128x128xf32, #tpu.memory_space<vmem>>) offsets(%dma_start3A_627 : memref<128xi32, #tpu.memory_space<vmem>>) semaphore(%arg8 : memref<!tpu.dma_semaphore, #tpu.memory_space<semaphore_mem>>)
    %dma_start3A_631 = arith.constant 1 : i32
    %dma_start3A_632 = arith.constant 1 : i32
    %dma_start3A_633 = arith.constant 1 : i32
    %dma_start3A_634 = arith.constant 0 : i32
    %dma_start3A_635 = arith.constant 0 : i32
    %dma_start3A_636 = tpu.memref_slice %arg6[%dma_start3A_633, %dma_start3A_634, %dma_start3A_635] : memref<2x256x128xf32, #tpu.memory_space<vmem>> -> memref<1x256x128xf32, #tpu.memory_space<vmem>>
    %dma_start3A_637 = tpu.memref_squeeze %dma_start3A_636 : memref<1x256x128xf32, #tpu.memory_space<vmem>> -> memref<256x128xf32, #tpu.memory_space<vmem>>
    %dma_start3A_638 = arith.constant 128 : i32
    %dma_start3A_639 = arith.constant 0 : i32
    %dma_start3A_640 = tpu.memref_slice %dma_start3A_637[%dma_start3A_638, %dma_start3A_639] : memref<256x128xf32, #tpu.memory_space<vmem>> -> memref<128x128xf32, #tpu.memory_space<vmem>>
    %dma_start3A_641 = arith.constant 0 : i32
    %dma_start3A_642 = tpu.memref_slice %arg5[%dma_start3A_631, %dma_start3A_632, %dma_start3A_641] : memref<2x2x128xi32, #tpu.memory_space<vmem>> -> memref<1x1x128xi32, #tpu.memory_space<vmem>>
    %dma_start3A_643 = tpu.memref_squeeze %dma_start3A_642 : memref<1x1x128xi32, #tpu.memory_space<vmem>> -> memref<128xi32, #tpu.memory_space<vmem>>
    %dma_start3A_644 = arith.constant 0 : i32
    %dma_start3A_645 = arith.constant 0 : i32
    %dma_start3A_646 = tpu.memref_slice %arg3[%dma_start3A_644, %dma_start3A_645] : memref<1001x128xf32, #tpu.memory_space<hbm>> -> memref<1001x128xf32, #tpu.memory_space<hbm>>
    tpu.enqueue_indirect_dma source(%dma_start3A_646 : memref<1001x128xf32, #tpu.memory_space<hbm>>) target(%dma_start3A_640 : memref<128x128xf32, #tpu.memory_space<vmem>>) offsets(%dma_start3A_643 : memref<128xi32, #tpu.memory_space<vmem>>) semaphore(%arg8 : memref<!tpu.dma_semaphore, #tpu.memory_space<semaphore_mem>>)
    %scan3A = arith.constant 0 : i32
    %scan3A_647 = arith.constant 49 : i32
    %scan3A_648 = arith.addi %scan3A, %scan3A_647 : i32
    %scan3A_649 = arith.constant 1 : i32
    scf.for %scan3A_782 = %scan3A to %scan3A_648 step %scan3A_649  : i32 {
      %mul3A_783 = arith.constant 1 : i32
      %mul3A_784 = arith.muli %scan3A_782, %mul3A_783 : i32
      %add3A_785 = arith.constant 0 : i32
      %add3A_786 = arith.addi %add3A_785, %mul3A_784 : i32
      %mul3A_787 = arith.constant 2 : i32
      %mul3A_788 = arith.muli %add3A_786, %mul3A_787 : i32
      %add3A_789 = arith.constant 0 : i32
      %add3A_790 = arith.addi %mul3A_788, %add3A_789 : i32
      %dma_wait3A_791 = arith.constant 0 : i32
      %dma_wait3A_792 = arith.constant 0 : i32
      %dma_wait3A_793 = arith.constant 0 : i32
      %dma_wait3A_794 = arith.constant 0 : i32
      %dma_wait3A_795 = arith.constant 0 : i32
      %dma_wait3A_796 = tpu.memref_slice %arg6[%dma_wait3A_793, %dma_wait3A_794, %dma_wait3A_795] : memref<2x256x128xf32, #tpu.memory_space<vmem>> -> memref<1x256x128xf32, #tpu.memory_space<vmem>>
      %dma_wait3A_797 = tpu.memref_squeeze %dma_wait3A_796 : memref<1x256x128xf32, #tpu.memory_space<vmem>> -> memref<256x128xf32, #tpu.memory_space<vmem>>
      %dma_wait3A_798 = arith.constant 0 : i32
      %dma_wait3A_799 = arith.constant 0 : i32
      %dma_wait3A_800 = tpu.memref_slice %dma_wait3A_797[%dma_wait3A_798, %dma_wait3A_799] : memref<256x128xf32, #tpu.memory_space<vmem>> -> memref<128x128xf32, #tpu.memory_space<vmem>>
      %dma_wait3A_801 = arith.constant 0 : i32
      %dma_wait3A_802 = tpu.memref_slice %arg5[%dma_wait3A_791, %dma_wait3A_792, %dma_wait3A_801] : memref<2x2x128xi32, #tpu.memory_space<vmem>> -> memref<1x1x128xi32, #tpu.memory_space<vmem>>
      %dma_wait3A_803 = tpu.memref_squeeze %dma_wait3A_802 : memref<1x1x128xi32, #tpu.memory_space<vmem>> -> memref<128xi32, #tpu.memory_space<vmem>>
      %dma_wait3A_804 = arith.constant 0 : i32
      %dma_wait3A_805 = arith.constant 0 : i32
      %dma_wait3A_806 = tpu.memref_slice %arg3[%dma_wait3A_804, %dma_wait3A_805] : memref<1001x128xf32, #tpu.memory_space<hbm>> -> memref<1001x128xf32, #tpu.memory_space<hbm>>
      tpu.wait_indirect_dma semaphore(%arg7 : memref<!tpu.dma_semaphore, #tpu.memory_space<semaphore_mem>>) src(%dma_wait3A_806 : memref<1001x128xf32, #tpu.memory_space<hbm>>) dst(%dma_wait3A_800 : memref<128x128xf32, #tpu.memory_space<vmem>>)
      %dma_wait3A_807 = arith.constant 0 : i32
      %dma_wait3A_808 = arith.constant 1 : i32
      %dma_wait3A_809 = arith.constant 0 : i32
      %dma_wait3A_810 = arith.constant 0 : i32
      %dma_wait3A_811 = arith.constant 0 : i32
      %dma_wait3A_812 = tpu.memref_slice %arg6[%dma_wait3A_809, %dma_wait3A_810, %dma_wait3A_811] : memref<2x256x128xf32, #tpu.memory_space<vmem>> -> memref<1x256x128xf32, #tpu.memory_space<vmem>>
      %dma_wait3A_813 = tpu.memref_squeeze %dma_wait3A_812 : memref<1x256x128xf32, #tpu.memory_space<vmem>> -> memref<256x128xf32, #tpu.memory_space<vmem>>
      %dma_wait3A_814 = arith.constant 128 : i32
      %dma_wait3A_815 = arith.constant 0 : i32
      %dma_wait3A_816 = tpu.memref_slice %dma_wait3A_813[%dma_wait3A_814, %dma_wait3A_815] : memref<256x128xf32, #tpu.memory_space<vmem>> -> memref<128x128xf32, #tpu.memory_space<vmem>>
      %dma_wait3A_817 = arith.constant 0 : i32
      %dma_wait3A_818 = tpu.memref_slice %arg5[%dma_wait3A_807, %dma_wait3A_808, %dma_wait3A_817] : memref<2x2x128xi32, #tpu.memory_space<vmem>> -> memref<1x1x128xi32, #tpu.memory_space<vmem>>
      %dma_wait3A_819 = tpu.memref_squeeze %dma_wait3A_818 : memref<1x1x128xi32, #tpu.memory_space<vmem>> -> memref<128xi32, #tpu.memory_space<vmem>>
      %dma_wait3A_820 = arith.constant 0 : i32
      %dma_wait3A_821 = arith.constant 0 : i32
      %dma_wait3A_822 = tpu.memref_slice %arg3[%dma_wait3A_820, %dma_wait3A_821] : memref<1001x128xf32, #tpu.memory_space<hbm>> -> memref<1001x128xf32, #tpu.memory_space<hbm>>
      tpu.wait_indirect_dma semaphore(%arg7 : memref<!tpu.dma_semaphore, #tpu.memory_space<semaphore_mem>>) src(%dma_wait3A_822 : memref<1001x128xf32, #tpu.memory_space<hbm>>) dst(%dma_wait3A_816 : memref<128x128xf32, #tpu.memory_space<vmem>>)
      %mul3A_823 = arith.constant 25600 : i32
      %mul3A_824 = arith.muli %add3A, %mul3A_823 : i32
      %mul3A_825 = arith.constant 256 : i32
      %mul3A_826 = arith.muli %add3A_790, %mul3A_825 : i32
      %add3A_827 = arith.addi %mul3A_824, %mul3A_826 : i32
      %dma_start3A_828 = arith.constant 0 : i32
      %dma_start3A_829 = arith.constant 0 : i32
      %dma_start3A_830 = arith.constant 0 : i32
      %dma_start3A_831 = tpu.memref_slice %arg6[%dma_start3A_828, %dma_start3A_829, %dma_start3A_830] : memref<2x256x128xf32, #tpu.memory_space<vmem>> -> memref<1x256x128xf32, #tpu.memory_space<vmem>>
      %dma_start3A_832 = tpu.memref_squeeze %dma_start3A_831 : memref<1x256x128xf32, #tpu.memory_space<vmem>> -> memref<256x128xf32, #tpu.memory_space<vmem>>
      %dma_start3A_833 = arith.constant 0 : i32
      %dma_start3A_834 = tpu.memref_slice %arg4[%add3A_827, %dma_start3A_833] : memref<819200x128xf32, #tpu.memory_space<hbm>> -> memref<256x128xf32, #tpu.memory_space<hbm>>
      %dma_start3A_835 = arith.constant 0 : i32
      %dma_start3A_836 = tpu.memref_slice %arg4[%add3A_827, %dma_start3A_835] : memref<819200x128xf32, #tpu.memory_space<hbm>> -> memref<256x128xf32, #tpu.memory_space<hbm>>
      %dma_start3A_837 = arith.constant 0 : i32
      %dma_start3A_838 = arith.constant 0 : i32
      %dma_start3A_839 = tpu.memref_slice %arg6[%dma_start3A_828, %dma_start3A_837, %dma_start3A_838] : memref<2x256x128xf32, #tpu.memory_space<vmem>> -> memref<1x256x128xf32, #tpu.memory_space<vmem>>
      %dma_start3A_840 = tpu.memref_squeeze %dma_start3A_839 : memref<1x256x128xf32, #tpu.memory_space<vmem>> -> memref<256x128xf32, #tpu.memory_space<vmem>>
      tpu.enqueue_dma source(%dma_start3A_840 : memref<256x128xf32, #tpu.memory_space<vmem>>) target(%dma_start3A_836 : memref<256x128xf32, #tpu.memory_space<hbm>>) target_semaphore(%arg9 : memref<!tpu.dma_semaphore, #tpu.memory_space<semaphore_mem>>)
      %add3A_841 = arith.constant 1 : i32
      %add3A_842 = arith.addi %mul3A_788, %add3A_841 : i32
      %dma_wait3A_843 = arith.constant 1 : i32
      %dma_wait3A_844 = arith.constant 0 : i32
      %dma_wait3A_845 = arith.constant 1 : i32
      %dma_wait3A_846 = arith.constant 0 : i32
      %dma_wait3A_847 = arith.constant 0 : i32
      %dma_wait3A_848 = tpu.memref_slice %arg6[%dma_wait3A_845, %dma_wait3A_846, %dma_wait3A_847] : memref<2x256x128xf32, #tpu.memory_space<vmem>> -> memref<1x256x128xf32, #tpu.memory_space<vmem>>
      %dma_wait3A_849 = tpu.memref_squeeze %dma_wait3A_848 : memref<1x256x128xf32, #tpu.memory_space<vmem>> -> memref<256x128xf32, #tpu.memory_space<vmem>>
      %dma_wait3A_850 = arith.constant 0 : i32
      %dma_wait3A_851 = arith.constant 0 : i32
      %dma_wait3A_852 = tpu.memref_slice %dma_wait3A_849[%dma_wait3A_850, %dma_wait3A_851] : memref<256x128xf32, #tpu.memory_space<vmem>> -> memref<128x128xf32, #tpu.memory_space<vmem>>
      %dma_wait3A_853 = arith.constant 0 : i32
      %dma_wait3A_854 = tpu.memref_slice %arg5[%dma_wait3A_843, %dma_wait3A_844, %dma_wait3A_853] : memref<2x2x128xi32, #tpu.memory_space<vmem>> -> memref<1x1x128xi32, #tpu.memory_space<vmem>>
      %dma_wait3A_855 = tpu.memref_squeeze %dma_wait3A_854 : memref<1x1x128xi32, #tpu.memory_space<vmem>> -> memref<128xi32, #tpu.memory_space<vmem>>
      %dma_wait3A_856 = arith.constant 0 : i32
      %dma_wait3A_857 = arith.constant 0 : i32
      %dma_wait3A_858 = tpu.memref_slice %arg3[%dma_wait3A_856, %dma_wait3A_857] : memref<1001x128xf32, #tpu.memory_space<hbm>> -> memref<1001x128xf32, #tpu.memory_space<hbm>>
      tpu.wait_indirect_dma semaphore(%arg8 : memref<!tpu.dma_semaphore, #tpu.memory_space<semaphore_mem>>) src(%dma_wait3A_858 : memref<1001x128xf32, #tpu.memory_space<hbm>>) dst(%dma_wait3A_852 : memref<128x128xf32, #tpu.memory_space<vmem>>)
      %dma_wait3A_859 = arith.constant 1 : i32
      %dma_wait3A_860 = arith.constant 1 : i32
      %dma_wait3A_861 = arith.constant 1 : i32
      %dma_wait3A_862 = arith.constant 0 : i32
      %dma_wait3A_863 = arith.constant 0 : i32
      %dma_wait3A_864 = tpu.memref_slice %arg6[%dma_wait3A_861, %dma_wait3A_862, %dma_wait3A_863] : memref<2x256x128xf32, #tpu.memory_space<vmem>> -> memref<1x256x128xf32, #tpu.memory_space<vmem>>
      %dma_wait3A_865 = tpu.memref_squeeze %dma_wait3A_864 : memref<1x256x128xf32, #tpu.memory_space<vmem>> -> memref<256x128xf32, #tpu.memory_space<vmem>>
      %dma_wait3A_866 = arith.constant 128 : i32
      %dma_wait3A_867 = arith.constant 0 : i32
      %dma_wait3A_868 = tpu.memref_slice %dma_wait3A_865[%dma_wait3A_866, %dma_wait3A_867] : memref<256x128xf32, #tpu.memory_space<vmem>> -> memref<128x128xf32, #tpu.memory_space<vmem>>
      %dma_wait3A_869 = arith.constant 0 : i32
      %dma_wait3A_870 = tpu.memref_slice %arg5[%dma_wait3A_859, %dma_wait3A_860, %dma_wait3A_869] : memref<2x2x128xi32, #tpu.memory_space<vmem>> -> memref<1x1x128xi32, #tpu.memory_space<vmem>>
      %dma_wait3A_871 = tpu.memref_squeeze %dma_wait3A_870 : memref<1x1x128xi32, #tpu.memory_space<vmem>> -> memref<128xi32, #tpu.memory_space<vmem>>
      %dma_wait3A_872 = arith.constant 0 : i32
      %dma_wait3A_873 = arith.constant 0 : i32
      %dma_wait3A_874 = tpu.memref_slice %arg3[%dma_wait3A_872, %dma_wait3A_873] : memref<1001x128xf32, #tpu.memory_space<hbm>> -> memref<1001x128xf32, #tpu.memory_space<hbm>>
      tpu.wait_indirect_dma semaphore(%arg8 : memref<!tpu.dma_semaphore, #tpu.memory_space<semaphore_mem>>) src(%dma_wait3A_874 : memref<1001x128xf32, #tpu.memory_space<hbm>>) dst(%dma_wait3A_868 : memref<128x128xf32, #tpu.memory_space<vmem>>)
      %mul3A_875 = arith.constant 25600 : i32
      %mul3A_876 = arith.muli %add3A, %mul3A_875 : i32
      %mul3A_877 = arith.constant 256 : i32
      %mul3A_878 = arith.muli %add3A_842, %mul3A_877 : i32
      %add3A_879 = arith.addi %mul3A_876, %mul3A_878 : i32
      %dma_start3A_880 = arith.constant 1 : i32
      %dma_start3A_881 = arith.constant 0 : i32
      %dma_start3A_882 = arith.constant 0 : i32
      %dma_start3A_883 = tpu.memref_slice %arg6[%dma_start3A_880, %dma_start3A_881, %dma_start3A_882] : memref<2x256x128xf32, #tpu.memory_space<vmem>> -> memref<1x256x128xf32, #tpu.memory_space<vmem>>
      %dma_start3A_884 = tpu.memref_squeeze %dma_start3A_883 : memref<1x256x128xf32, #tpu.memory_space<vmem>> -> memref<256x128xf32, #tpu.memory_space<vmem>>
      %dma_start3A_885 = arith.constant 0 : i32
      %dma_start3A_886 = tpu.memref_slice %arg4[%add3A_879, %dma_start3A_885] : memref<819200x128xf32, #tpu.memory_space<hbm>> -> memref<256x128xf32, #tpu.memory_space<hbm>>
      %dma_start3A_887 = arith.constant 0 : i32
      %dma_start3A_888 = tpu.memref_slice %arg4[%add3A_879, %dma_start3A_887] : memref<819200x128xf32, #tpu.memory_space<hbm>> -> memref<256x128xf32, #tpu.memory_space<hbm>>
      %dma_start3A_889 = arith.constant 0 : i32
      %dma_start3A_890 = arith.constant 0 : i32
      %dma_start3A_891 = tpu.memref_slice %arg6[%dma_start3A_880, %dma_start3A_889, %dma_start3A_890] : memref<2x256x128xf32, #tpu.memory_space<vmem>> -> memref<1x256x128xf32, #tpu.memory_space<vmem>>
      %dma_start3A_892 = tpu.memref_squeeze %dma_start3A_891 : memref<1x256x128xf32, #tpu.memory_space<vmem>> -> memref<256x128xf32, #tpu.memory_space<vmem>>
      tpu.enqueue_dma source(%dma_start3A_892 : memref<256x128xf32, #tpu.memory_space<vmem>>) target(%dma_start3A_888 : memref<256x128xf32, #tpu.memory_space<hbm>>) target_semaphore(%arg10 : memref<!tpu.dma_semaphore, #tpu.memory_space<semaphore_mem>>)
      %add3A_893 = arith.constant 0 : i32
      %add3A_894 = arith.addi %mul3A_788, %add3A_893 : i32
      %mul3A_895 = arith.constant 25600 : i32
      %mul3A_896 = arith.muli %add3A, %mul3A_895 : i32
      %mul3A_897 = arith.constant 256 : i32
      %mul3A_898 = arith.muli %add3A_894, %mul3A_897 : i32
      %add3A_899 = arith.addi %mul3A_896, %mul3A_898 : i32
      %dma_wait3A_900 = arith.constant 0 : i32
      %dma_wait3A_901 = arith.constant 0 : i32
      %dma_wait3A_902 = arith.constant 0 : i32
      %dma_wait3A_903 = tpu.memref_slice %arg6[%dma_wait3A_900, %dma_wait3A_901, %dma_wait3A_902] : memref<2x256x128xf32, #tpu.memory_space<vmem>> -> memref<1x256x128xf32, #tpu.memory_space<vmem>>
      %dma_wait3A_904 = tpu.memref_squeeze %dma_wait3A_903 : memref<1x256x128xf32, #tpu.memory_space<vmem>> -> memref<256x128xf32, #tpu.memory_space<vmem>>
      %dma_wait3A_905 = arith.constant 0 : i32
      %dma_wait3A_906 = tpu.memref_slice %arg4[%add3A_899, %dma_wait3A_905] : memref<819200x128xf32, #tpu.memory_space<hbm>> -> memref<256x128xf32, #tpu.memory_space<hbm>>
      %dma_wait3A_907 = arith.constant 0 : i32
      %dma_wait3A_908 = tpu.memref_slice %arg4[%add3A_899, %dma_wait3A_907] : memref<819200x128xf32, #tpu.memory_space<hbm>> -> memref<256x128xf32, #tpu.memory_space<hbm>>
      %dma_wait3A_909 = arith.constant 0 : i32
      %dma_wait3A_910 = arith.constant 0 : i32
      %dma_wait3A_911 = tpu.memref_slice %arg6[%dma_wait3A_900, %dma_wait3A_909, %dma_wait3A_910] : memref<2x256x128xf32, #tpu.memory_space<vmem>> -> memref<1x256x128xf32, #tpu.memory_space<vmem>>
      %dma_wait3A_912 = tpu.memref_squeeze %dma_wait3A_911 : memref<1x256x128xf32, #tpu.memory_space<vmem>> -> memref<256x128xf32, #tpu.memory_space<vmem>>
      tpu.wait_dma2 semaphore(%arg9 : memref<!tpu.dma_semaphore, #tpu.memory_space<semaphore_mem>>) src(%dma_wait3A_912 : memref<256x128xf32, #tpu.memory_space<vmem>>) dst(%dma_wait3A_908 : memref<256x128xf32, #tpu.memory_space<hbm>>)
      %add3A_913 = arith.constant 0 : i32
      %add3A_914 = arith.addi %mul3A_788, %add3A_913 : i32
      %add3A_915 = arith.constant 2 : i32
      %add3A_916 = arith.addi %add3A_914, %add3A_915 : i32
      %mul3A_917 = arith.constant 200 : i32
      %mul3A_918 = arith.muli %add3A, %mul3A_917 : i32
      %mul3A_919 = arith.constant 2 : i32
      %mul3A_920 = arith.muli %add3A_916, %mul3A_919 : i32
      %add3A_921 = arith.addi %mul3A_918, %mul3A_920 : i32
      %run_scoped3A_922 = arith.constant 0 : i32
      "tpu.region"() ({
        %run_scoped3A_1593 = tpu.sem_alloc : memref<!tpu.dma_semaphore, #tpu.memory_space<semaphore_mem>>
        %dma_start3A_1594 = arith.constant 0 : i32
        %dma_start3A_1595 = arith.constant 0 : i32
        %dma_start3A_1596 = tpu.memref_slice %arg5[%run_scoped3A_922, %dma_start3A_1594, %dma_start3A_1595] : memref<2x2x128xi32, #tpu.memory_space<vmem>> -> memref<1x2x128xi32, #tpu.memory_space<vmem>>
        %dma_start3A_1597 = tpu.memref_squeeze %dma_start3A_1596 : memref<1x2x128xi32, #tpu.memory_space<vmem>> -> memref<2x128xi32, #tpu.memory_space<vmem>>
        %dma_start3A_1598 = arith.constant 0 : i32
        %dma_start3A_1599 = tpu.memref_slice %arg2[%add3A_921, %dma_start3A_1598] : memref<6400x128xi32, #tpu.memory_space<hbm>> -> memref<2x128xi32, #tpu.memory_space<hbm>>
        %dma_start3A_1600 = arith.constant 0 : i32
        %dma_start3A_1601 = arith.constant 0 : i32
        %dma_start3A_1602 = tpu.memref_slice %arg5[%run_scoped3A_922, %dma_start3A_1600, %dma_start3A_1601] : memref<2x2x128xi32, #tpu.memory_space<vmem>> -> memref<1x2x128xi32, #tpu.memory_space<vmem>>
        %dma_start3A_1603 = tpu.memref_squeeze %dma_start3A_1602 : memref<1x2x128xi32, #tpu.memory_space<vmem>> -> memref<2x128xi32, #tpu.memory_space<vmem>>
        %dma_start3A_1604 = arith.constant 0 : i32
        %dma_start3A_1605 = tpu.memref_slice %arg2[%add3A_921, %dma_start3A_1604] : memref<6400x128xi32, #tpu.memory_space<hbm>> -> memref<2x128xi32, #tpu.memory_space<hbm>>
        tpu.enqueue_dma source(%dma_start3A_1605 : memref<2x128xi32, #tpu.memory_space<hbm>>) target(%dma_start3A_1603 : memref<2x128xi32, #tpu.memory_space<vmem>>) target_semaphore(%run_scoped3A_1593 : memref<!tpu.dma_semaphore, #tpu.memory_space<semaphore_mem>>)
        %dma_wait3A_1606 = arith.constant 0 : i32
        %dma_wait3A_1607 = arith.constant 0 : i32
        %dma_wait3A_1608 = tpu.memref_slice %arg5[%run_scoped3A_922, %dma_wait3A_1606, %dma_wait3A_1607] : memref<2x2x128xi32, #tpu.memory_space<vmem>> -> memref<1x2x128xi32, #tpu.memory_space<vmem>>
        %dma_wait3A_1609 = tpu.memref_squeeze %dma_wait3A_1608 : memref<1x2x128xi32, #tpu.memory_space<vmem>> -> memref<2x128xi32, #tpu.memory_space<vmem>>
        %dma_wait3A_1610 = arith.constant 0 : i32
        %dma_wait3A_1611 = tpu.memref_slice %arg2[%add3A_921, %dma_wait3A_1610] : memref<6400x128xi32, #tpu.memory_space<hbm>> -> memref<2x128xi32, #tpu.memory_space<hbm>>
        %dma_wait3A_1612 = arith.constant 0 : i32
        %dma_wait3A_1613 = arith.constant 0 : i32
        %dma_wait3A_1614 = tpu.memref_slice %arg5[%run_scoped3A_922, %dma_wait3A_1612, %dma_wait3A_1613] : memref<2x2x128xi32, #tpu.memory_space<vmem>> -> memref<1x2x128xi32, #tpu.memory_space<vmem>>
        %dma_wait3A_1615 = tpu.memref_squeeze %dma_wait3A_1614 : memref<1x2x128xi32, #tpu.memory_space<vmem>> -> memref<2x128xi32, #tpu.memory_space<vmem>>
        %dma_wait3A_1616 = arith.constant 0 : i32
        %dma_wait3A_1617 = tpu.memref_slice %arg2[%add3A_921, %dma_wait3A_1616] : memref<6400x128xi32, #tpu.memory_space<hbm>> -> memref<2x128xi32, #tpu.memory_space<hbm>>
        tpu.wait_dma2 semaphore(%run_scoped3A_1593 : memref<!tpu.dma_semaphore, #tpu.memory_space<semaphore_mem>>) src(%dma_wait3A_1617 : memref<2x128xi32, #tpu.memory_space<hbm>>) dst(%dma_wait3A_1615 : memref<2x128xi32, #tpu.memory_space<vmem>>)
        tpu.yield
      }) : () -> ()
      %get3A_923 = arith.constant 0 : i32
      %get3A_924 = arith.constant 0 : i32
      %get3A_925 = arith.index_cast %get3A_923 : i32 to index
      %get3A_926 = arith.index_cast %get3A_924 : i32 to index
      %get3A_927 = arith.constant 0 : index
      %get3A_928 = tpu.vector_load %arg5[%get3A_925, %get3A_926, %get3A_927] {strides = array<i32>} : memref<2x2x128xi32, #tpu.memory_space<vmem>>, vector<1x1x16xi32>,
      %get3A_929 = vector.shape_cast %get3A_928 : vector<1x1x16xi32> to vector<16xi32>
      %add3A_930 = arith.constant 1 : i32
      %add3A_931 = vector.broadcast %add3A_930 : i32 to vector<16xi32>
      %add3A_932 = arith.addi %get3A_929, %add3A_931 : vector<16xi32>
      %swap3A_933 = arith.constant 0 : i32
      %swap3A_934 = arith.constant 0 : i32
      %swap3A_935 = arith.index_cast %swap3A_933 : i32 to index
      %swap3A_936 = arith.index_cast %swap3A_934 : i32 to index
      %swap3A_937 = arith.constant 0 : index
      %swap3A_938 = tpu.vector_load %arg5[%swap3A_935, %swap3A_936, %swap3A_937] {strides = array<i32>} : memref<2x2x128xi32, #tpu.memory_space<vmem>>, vector<1x1x16xi32>,
      %swap3A_939 = vector.shape_cast %swap3A_938 : vector<1x1x16xi32> to vector<16xi32>
      %swap3A_940 = vector.shape_cast %add3A_932 : vector<16xi32> to vector<1x1x16xi32>
      tpu.vector_store %arg5[%swap3A_935, %swap3A_936, %swap3A_937], %swap3A_940 {strides = array<i32>} : memref<2x2x128xi32, #tpu.memory_space<vmem>>, vector<1x1x16xi32>,
      %get3A_941 = arith.constant 0 : i32
      %get3A_942 = arith.constant 0 : i32
      %get3A_943 = arith.index_cast %get3A_941 : i32 to index
      %get3A_944 = arith.index_cast %get3A_942 : i32 to index
      %get3A_945 = arith.constant 16 : index
      %get3A_946 = tpu.vector_load %arg5[%get3A_943, %get3A_944, %get3A_945] {strides = array<i32>} : memref<2x2x128xi32, #tpu.memory_space<vmem>>, vector<1x1x16xi32>,
      %get3A_947 = vector.shape_cast %get3A_946 : vector<1x1x16xi32> to vector<16xi32>
      %add3A_948 = arith.constant 1 : i32
      %add3A_949 = vector.broadcast %add3A_948 : i32 to vector<16xi32>
      %add3A_950 = arith.addi %get3A_947, %add3A_949 : vector<16xi32>
      %swap3A_951 = arith.constant 0 : i32
      %swap3A_952 = arith.constant 0 : i32
      %swap3A_953 = arith.index_cast %swap3A_951 : i32 to index
      %swap3A_954 = arith.index_cast %swap3A_952 : i32 to index
      %swap3A_955 = arith.constant 16 : index
      %swap3A_956 = tpu.vector_load %arg5[%swap3A_953, %swap3A_954, %swap3A_955] {strides = array<i32>} : memref<2x2x128xi32, #tpu.memory_space<vmem>>, vector<1x1x16xi32>,
      %swap3A_957 = vector.shape_cast %swap3A_956 : vector<1x1x16xi32> to vector<16xi32>
      %swap3A_958 = vector.shape_cast %add3A_950 : vector<16xi32> to vector<1x1x16xi32>
      tpu.vector_store %arg5[%swap3A_953, %swap3A_954, %swap3A_955], %swap3A_958 {strides = array<i32>} : memref<2x2x128xi32, #tpu.memory_space<vmem>>, vector<1x1x16xi32>,
      %get3A_959 = arith.constant 0 : i32
      %get3A_960 = arith.constant 0 : i32
      %get3A_961 = arith.index_cast %get3A_959 : i32 to index
      %get3A_962 = arith.index_cast %get3A_960 : i32 to index
      %get3A_963 = arith.constant 32 : index
      %get3A_964 = tpu.vector_load %arg5[%get3A_961, %get3A_962, %get3A_963] {strides = array<i32>} : memref<2x2x128xi32, #tpu.memory_space<vmem>>, vector<1x1x16xi32>,
      %get3A_965 = vector.shape_cast %get3A_964 : vector<1x1x16xi32> to vector<16xi32>
      %add3A_966 = arith.constant 1 : i32
      %add3A_967 = vector.broadcast %add3A_966 : i32 to vector<16xi32>
      %add3A_968 = arith.addi %get3A_965, %add3A_967 : vector<16xi32>
      %swap3A_969 = arith.constant 0 : i32
      %swap3A_970 = arith.constant 0 : i32
      %swap3A_971 = arith.index_cast %swap3A_969 : i32 to index
      %swap3A_972 = arith.index_cast %swap3A_970 : i32 to index
      %swap3A_973 = arith.constant 32 : index
      %swap3A_974 = tpu.vector_load %arg5[%swap3A_971, %swap3A_972, %swap3A_973] {strides = array<i32>} : memref<2x2x128xi32, #tpu.memory_space<vmem>>, vector<1x1x16xi32>,
      %swap3A_975 = vector.shape_cast %swap3A_974 : vector<1x1x16xi32> to vector<16xi32>
      %swap3A_976 = vector.shape_cast %add3A_968 : vector<16xi32> to vector<1x1x16xi32>
      tpu.vector_store %arg5[%swap3A_971, %swap3A_972, %swap3A_973], %swap3A_976 {strides = array<i32>} : memref<2x2x128xi32, #tpu.memory_space<vmem>>, vector<1x1x16xi32>,
      %get3A_977 = arith.constant 0 : i32
      %get3A_978 = arith.constant 0 : i32
      %get3A_979 = arith.index_cast %get3A_977 : i32 to index
      %get3A_980 = arith.index_cast %get3A_978 : i32 to index
      %get3A_981 = arith.constant 48 : index
      %get3A_982 = tpu.vector_load %arg5[%get3A_979, %get3A_980, %get3A_981] {strides = array<i32>} : memref<2x2x128xi32, #tpu.memory_space<vmem>>, vector<1x1x16xi32>,
      %get3A_983 = vector.shape_cast %get3A_982 : vector<1x1x16xi32> to vector<16xi32>
      %add3A_984 = arith.constant 1 : i32
      %add3A_985 = vector.broadcast %add3A_984 : i32 to vector<16xi32>
      %add3A_986 = arith.addi %get3A_983, %add3A_985 : vector<16xi32>
      %swap3A_987 = arith.constant 0 : i32
      %swap3A_988 = arith.constant 0 : i32
      %swap3A_989 = arith.index_cast %swap3A_987 : i32 to index
      %swap3A_990 = arith.index_cast %swap3A_988 : i32 to index
      %swap3A_991 = arith.constant 48 : index
      %swap3A_992 = tpu.vector_load %arg5[%swap3A_989, %swap3A_990, %swap3A_991] {strides = array<i32>} : memref<2x2x128xi32, #tpu.memory_space<vmem>>, vector<1x1x16xi32>,
      %swap3A_993 = vector.shape_cast %swap3A_992 : vector<1x1x16xi32> to vector<16xi32>
      %swap3A_994 = vector.shape_cast %add3A_986 : vector<16xi32> to vector<1x1x16xi32>
      tpu.vector_store %arg5[%swap3A_989, %swap3A_990, %swap3A_991], %swap3A_994 {strides = array<i32>} : memref<2x2x128xi32, #tpu.memory_space<vmem>>, vector<1x1x16xi32>,
      %get3A_995 = arith.constant 0 : i32
      %get3A_996 = arith.constant 0 : i32
      %get3A_997 = arith.index_cast %get3A_995 : i32 to index
      %get3A_998 = arith.index_cast %get3A_996 : i32 to index
      %get3A_999 = arith.constant 64 : index
      %get3A_1000 = tpu.vector_load %arg5[%get3A_997, %get3A_998, %get3A_999] {strides = array<i32>} : memref<2x2x128xi32, #tpu.memory_space<vmem>>, vector<1x1x16xi32>,
      %get3A_1001 = vector.shape_cast %get3A_1000 : vector<1x1x16xi32> to vector<16xi32>
      %add3A_1002 = arith.constant 1 : i32
      %add3A_1003 = vector.broadcast %add3A_1002 : i32 to vector<16xi32>
      %add3A_1004 = arith.addi %get3A_1001, %add3A_1003 : vector<16xi32>
      %swap3A_1005 = arith.constant 0 : i32
      %swap3A_1006 = arith.constant 0 : i32
      %swap3A_1007 = arith.index_cast %swap3A_1005 : i32 to index
      %swap3A_1008 = arith.index_cast %swap3A_1006 : i32 to index
      %swap3A_1009 = arith.constant 64 : index
      %swap3A_1010 = tpu.vector_load %arg5[%swap3A_1007, %swap3A_1008, %swap3A_1009] {strides = array<i32>} : memref<2x2x128xi32, #tpu.memory_space<vmem>>, vector<1x1x16xi32>,
      %swap3A_1011 = vector.shape_cast %swap3A_1010 : vector<1x1x16xi32> to vector<16xi32>
      %swap3A_1012 = vector.shape_cast %add3A_1004 : vector<16xi32> to vector<1x1x16xi32>
      tpu.vector_store %arg5[%swap3A_1007, %swap3A_1008, %swap3A_1009], %swap3A_1012 {strides = array<i32>} : memref<2x2x128xi32, #tpu.memory_space<vmem>>, vector<1x1x16xi32>,
      %get3A_1013 = arith.constant 0 : i32
      %get3A_1014 = arith.constant 0 : i32
      %get3A_1015 = arith.index_cast %get3A_1013 : i32 to index
      %get3A_1016 = arith.index_cast %get3A_1014 : i32 to index
      %get3A_1017 = arith.constant 80 : index
      %get3A_1018 = tpu.vector_load %arg5[%get3A_1015, %get3A_1016, %get3A_1017] {strides = array<i32>} : memref<2x2x128xi32, #tpu.memory_space<vmem>>, vector<1x1x16xi32>,
      %get3A_1019 = vector.shape_cast %get3A_1018 : vector<1x1x16xi32> to vector<16xi32>
      %add3A_1020 = arith.constant 1 : i32
      %add3A_1021 = vector.broadcast %add3A_1020 : i32 to vector<16xi32>
      %add3A_1022 = arith.addi %get3A_1019, %add3A_1021 : vector<16xi32>
      %swap3A_1023 = arith.constant 0 : i32
      %swap3A_1024 = arith.constant 0 : i32
      %swap3A_1025 = arith.index_cast %swap3A_1023 : i32 to index
      %swap3A_1026 = arith.index_cast %swap3A_1024 : i32 to index
      %swap3A_1027 = arith.constant 80 : index
      %swap3A_1028 = tpu.vector_load %arg5[%swap3A_1025, %swap3A_1026, %swap3A_1027] {strides = array<i32>} : memref<2x2x128xi32, #tpu.memory_space<vmem>>, vector<1x1x16xi32>,
      %swap3A_1029 = vector.shape_cast %swap3A_1028 : vector<1x1x16xi32> to vector<16xi32>
      %swap3A_1030 = vector.shape_cast %add3A_1022 : vector<16xi32> to vector<1x1x16xi32>
      tpu.vector_store %arg5[%swap3A_1025, %swap3A_1026, %swap3A_1027], %swap3A_1030 {strides = array<i32>} : memref<2x2x128xi32, #tpu.memory_space<vmem>>, vector<1x1x16xi32>,
      %get3A_1031 = arith.constant 0 : i32
      %get3A_1032 = arith.constant 0 : i32
      %get3A_1033 = arith.index_cast %get3A_1031 : i32 to index
      %get3A_1034 = arith.index_cast %get3A_1032 : i32 to index
      %get3A_1035 = arith.constant 96 : index
      %get3A_1036 = tpu.vector_load %arg5[%get3A_1033, %get3A_1034, %get3A_1035] {strides = array<i32>} : memref<2x2x128xi32, #tpu.memory_space<vmem>>, vector<1x1x16xi32>,
      %get3A_1037 = vector.shape_cast %get3A_1036 : vector<1x1x16xi32> to vector<16xi32>
      %add3A_1038 = arith.constant 1 : i32
      %add3A_1039 = vector.broadcast %add3A_1038 : i32 to vector<16xi32>
      %add3A_1040 = arith.addi %get3A_1037, %add3A_1039 : vector<16xi32>
      %swap3A_1041 = arith.constant 0 : i32
      %swap3A_1042 = arith.constant 0 : i32
      %swap3A_1043 = arith.index_cast %swap3A_1041 : i32 to index
      %swap3A_1044 = arith.index_cast %swap3A_1042 : i32 to index
      %swap3A_1045 = arith.constant 96 : index
      %swap3A_1046 = tpu.vector_load %arg5[%swap3A_1043, %swap3A_1044, %swap3A_1045] {strides = array<i32>} : memref<2x2x128xi32, #tpu.memory_space<vmem>>, vector<1x1x16xi32>,
      %swap3A_1047 = vector.shape_cast %swap3A_1046 : vector<1x1x16xi32> to vector<16xi32>
      %swap3A_1048 = vector.shape_cast %add3A_1040 : vector<16xi32> to vector<1x1x16xi32>
      tpu.vector_store %arg5[%swap3A_1043, %swap3A_1044, %swap3A_1045], %swap3A_1048 {strides = array<i32>} : memref<2x2x128xi32, #tpu.memory_space<vmem>>, vector<1x1x16xi32>,
      %get3A_1049 = arith.constant 0 : i32
      %get3A_1050 = arith.constant 0 : i32
      %get3A_1051 = arith.index_cast %get3A_1049 : i32 to index
      %get3A_1052 = arith.index_cast %get3A_1050 : i32 to index
      %get3A_1053 = arith.constant 112 : index
      %get3A_1054 = tpu.vector_load %arg5[%get3A_1051, %get3A_1052, %get3A_1053] {strides = array<i32>} : memref<2x2x128xi32, #tpu.memory_space<vmem>>, vector<1x1x16xi32>,
      %get3A_1055 = vector.shape_cast %get3A_1054 : vector<1x1x16xi32> to vector<16xi32>
      %add3A_1056 = arith.constant 1 : i32
      %add3A_1057 = vector.broadcast %add3A_1056 : i32 to vector<16xi32>
      %add3A_1058 = arith.addi %get3A_1055, %add3A_1057 : vector<16xi32>
      %swap3A_1059 = arith.constant 0 : i32
      %swap3A_1060 = arith.constant 0 : i32
      %swap3A_1061 = arith.index_cast %swap3A_1059 : i32 to index
      %swap3A_1062 = arith.index_cast %swap3A_1060 : i32 to index
      %swap3A_1063 = arith.constant 112 : index
      %swap3A_1064 = tpu.vector_load %arg5[%swap3A_1061, %swap3A_1062, %swap3A_1063] {strides = array<i32>} : memref<2x2x128xi32, #tpu.memory_space<vmem>>, vector<1x1x16xi32>,
      %swap3A_1065 = vector.shape_cast %swap3A_1064 : vector<1x1x16xi32> to vector<16xi32>
      %swap3A_1066 = vector.shape_cast %add3A_1058 : vector<16xi32> to vector<1x1x16xi32>
      tpu.vector_store %arg5[%swap3A_1061, %swap3A_1062, %swap3A_1063], %swap3A_1066 {strides = array<i32>} : memref<2x2x128xi32, #tpu.memory_space<vmem>>, vector<1x1x16xi32>,
      %get3A_1067 = arith.constant 0 : i32
      %get3A_1068 = arith.constant 1 : i32
      %get3A_1069 = arith.index_cast %get3A_1067 : i32 to index
      %get3A_1070 = arith.index_cast %get3A_1068 : i32 to index
      %get3A_1071 = arith.constant 0 : index
      %get3A_1072 = tpu.vector_load %arg5[%get3A_1069, %get3A_1070, %get3A_1071] {strides = array<i32>} : memref<2x2x128xi32, #tpu.memory_space<vmem>>, vector<1x1x16xi32>,
      %get3A_1073 = vector.shape_cast %get3A_1072 : vector<1x1x16xi32> to vector<16xi32>
      %add3A_1074 = arith.constant 1 : i32
      %add3A_1075 = vector.broadcast %add3A_1074 : i32 to vector<16xi32>
      %add3A_1076 = arith.addi %get3A_1073, %add3A_1075 : vector<16xi32>
      %swap3A_1077 = arith.constant 0 : i32
      %swap3A_1078 = arith.constant 1 : i32
      %swap3A_1079 = arith.index_cast %swap3A_1077 : i32 to index
      %swap3A_1080 = arith.index_cast %swap3A_1078 : i32 to index
      %swap3A_1081 = arith.constant 0 : index
      %swap3A_1082 = tpu.vector_load %arg5[%swap3A_1079, %swap3A_1080, %swap3A_1081] {strides = array<i32>} : memref<2x2x128xi32, #tpu.memory_space<vmem>>, vector<1x1x16xi32>,
      %swap3A_1083 = vector.shape_cast %swap3A_1082 : vector<1x1x16xi32> to vector<16xi32>
      %swap3A_1084 = vector.shape_cast %add3A_1076 : vector<16xi32> to vector<1x1x16xi32>
      tpu.vector_store %arg5[%swap3A_1079, %swap3A_1080, %swap3A_1081], %swap3A_1084 {strides = array<i32>} : memref<2x2x128xi32, #tpu.memory_space<vmem>>, vector<1x1x16xi32>,
      %get3A_1085 = arith.constant 0 : i32
      %get3A_1086 = arith.constant 1 : i32
      %get3A_1087 = arith.index_cast %get3A_1085 : i32 to index
      %get3A_1088 = arith.index_cast %get3A_1086 : i32 to index
      %get3A_1089 = arith.constant 16 : index
      %get3A_1090 = tpu.vector_load %arg5[%get3A_1087, %get3A_1088, %get3A_1089] {strides = array<i32>} : memref<2x2x128xi32, #tpu.memory_space<vmem>>, vector<1x1x16xi32>,
      %get3A_1091 = vector.shape_cast %get3A_1090 : vector<1x1x16xi32> to vector<16xi32>
      %add3A_1092 = arith.constant 1 : i32
      %add3A_1093 = vector.broadcast %add3A_1092 : i32 to vector<16xi32>
      %add3A_1094 = arith.addi %get3A_1091, %add3A_1093 : vector<16xi32>
      %swap3A_1095 = arith.constant 0 : i32
      %swap3A_1096 = arith.constant 1 : i32
      %swap3A_1097 = arith.index_cast %swap3A_1095 : i32 to index
      %swap3A_1098 = arith.index_cast %swap3A_1096 : i32 to index
      %swap3A_1099 = arith.constant 16 : index
      %swap3A_1100 = tpu.vector_load %arg5[%swap3A_1097, %swap3A_1098, %swap3A_1099] {strides = array<i32>} : memref<2x2x128xi32, #tpu.memory_space<vmem>>, vector<1x1x16xi32>,
      %swap3A_1101 = vector.shape_cast %swap3A_1100 : vector<1x1x16xi32> to vector<16xi32>
      %swap3A_1102 = vector.shape_cast %add3A_1094 : vector<16xi32> to vector<1x1x16xi32>
      tpu.vector_store %arg5[%swap3A_1097, %swap3A_1098, %swap3A_1099], %swap3A_1102 {strides = array<i32>} : memref<2x2x128xi32, #tpu.memory_space<vmem>>, vector<1x1x16xi32>,
      %get3A_1103 = arith.constant 0 : i32
      %get3A_1104 = arith.constant 1 : i32
      %get3A_1105 = arith.index_cast %get3A_1103 : i32 to index
      %get3A_1106 = arith.index_cast %get3A_1104 : i32 to index
      %get3A_1107 = arith.constant 32 : index
      %get3A_1108 = tpu.vector_load %arg5[%get3A_1105, %get3A_1106, %get3A_1107] {strides = array<i32>} : memref<2x2x128xi32, #tpu.memory_space<vmem>>, vector<1x1x16xi32>,
      %get3A_1109 = vector.shape_cast %get3A_1108 : vector<1x1x16xi32> to vector<16xi32>
      %add3A_1110 = arith.constant 1 : i32
      %add3A_1111 = vector.broadcast %add3A_1110 : i32 to vector<16xi32>
      %add3A_1112 = arith.addi %get3A_1109, %add3A_1111 : vector<16xi32>
      %swap3A_1113 = arith.constant 0 : i32
      %swap3A_1114 = arith.constant 1 : i32
      %swap3A_1115 = arith.index_cast %swap3A_1113 : i32 to index
      %swap3A_1116 = arith.index_cast %swap3A_1114 : i32 to index
      %swap3A_1117 = arith.constant 32 : index
      %swap3A_1118 = tpu.vector_load %arg5[%swap3A_1115, %swap3A_1116, %swap3A_1117] {strides = array<i32>} : memref<2x2x128xi32, #tpu.memory_space<vmem>>, vector<1x1x16xi32>,
      %swap3A_1119 = vector.shape_cast %swap3A_1118 : vector<1x1x16xi32> to vector<16xi32>
      %swap3A_1120 = vector.shape_cast %add3A_1112 : vector<16xi32> to vector<1x1x16xi32>
      tpu.vector_store %arg5[%swap3A_1115, %swap3A_1116, %swap3A_1117], %swap3A_1120 {strides = array<i32>} : memref<2x2x128xi32, #tpu.memory_space<vmem>>, vector<1x1x16xi32>,
      %get3A_1121 = arith.constant 0 : i32
      %get3A_1122 = arith.constant 1 : i32
      %get3A_1123 = arith.index_cast %get3A_1121 : i32 to index
      %get3A_1124 = arith.index_cast %get3A_1122 : i32 to index
      %get3A_1125 = arith.constant 48 : index
      %get3A_1126 = tpu.vector_load %arg5[%get3A_1123, %get3A_1124, %get3A_1125] {strides = array<i32>} : memref<2x2x128xi32, #tpu.memory_space<vmem>>, vector<1x1x16xi32>,
      %get3A_1127 = vector.shape_cast %get3A_1126 : vector<1x1x16xi32> to vector<16xi32>
      %add3A_1128 = arith.constant 1 : i32
      %add3A_1129 = vector.broadcast %add3A_1128 : i32 to vector<16xi32>
      %add3A_1130 = arith.addi %get3A_1127, %add3A_1129 : vector<16xi32>
      %swap3A_1131 = arith.constant 0 : i32
      %swap3A_1132 = arith.constant 1 : i32
      %swap3A_1133 = arith.index_cast %swap3A_1131 : i32 to index
      %swap3A_1134 = arith.index_cast %swap3A_1132 : i32 to index
      %swap3A_1135 = arith.constant 48 : index
      %swap3A_1136 = tpu.vector_load %arg5[%swap3A_1133, %swap3A_1134, %swap3A_1135] {strides = array<i32>} : memref<2x2x128xi32, #tpu.memory_space<vmem>>, vector<1x1x16xi32>,
      %swap3A_1137 = vector.shape_cast %swap3A_1136 : vector<1x1x16xi32> to vector<16xi32>
      %swap3A_1138 = vector.shape_cast %add3A_1130 : vector<16xi32> to vector<1x1x16xi32>
      tpu.vector_store %arg5[%swap3A_1133, %swap3A_1134, %swap3A_1135], %swap3A_1138 {strides = array<i32>} : memref<2x2x128xi32, #tpu.memory_space<vmem>>, vector<1x1x16xi32>,
      %get3A_1139 = arith.constant 0 : i32
      %get3A_1140 = arith.constant 1 : i32
      %get3A_1141 = arith.index_cast %get3A_1139 : i32 to index
      %get3A_1142 = arith.index_cast %get3A_1140 : i32 to index
      %get3A_1143 = arith.constant 64 : index
      %get3A_1144 = tpu.vector_load %arg5[%get3A_1141, %get3A_1142, %get3A_1143] {strides = array<i32>} : memref<2x2x128xi32, #tpu.memory_space<vmem>>, vector<1x1x16xi32>,
      %get3A_1145 = vector.shape_cast %get3A_1144 : vector<1x1x16xi32> to vector<16xi32>
      %add3A_1146 = arith.constant 1 : i32
      %add3A_1147 = vector.broadcast %add3A_1146 : i32 to vector<16xi32>
      %add3A_1148 = arith.addi %get3A_1145, %add3A_1147 : vector<16xi32>
      %swap3A_1149 = arith.constant 0 : i32
      %swap3A_1150 = arith.constant 1 : i32
      %swap3A_1151 = arith.index_cast %swap3A_1149 : i32 to index
      %swap3A_1152 = arith.index_cast %swap3A_1150 : i32 to index
      %swap3A_1153 = arith.constant 64 : index
      %swap3A_1154 = tpu.vector_load %arg5[%swap3A_1151, %swap3A_1152, %swap3A_1153] {strides = array<i32>} : memref<2x2x128xi32, #tpu.memory_space<vmem>>, vector<1x1x16xi32>,
      %swap3A_1155 = vector.shape_cast %swap3A_1154 : vector<1x1x16xi32> to vector<16xi32>
      %swap3A_1156 = vector.shape_cast %add3A_1148 : vector<16xi32> to vector<1x1x16xi32>
      tpu.vector_store %arg5[%swap3A_1151, %swap3A_1152, %swap3A_1153], %swap3A_1156 {strides = array<i32>} : memref<2x2x128xi32, #tpu.memory_space<vmem>>, vector<1x1x16xi32>,
      %get3A_1157 = arith.constant 0 : i32
      %get3A_1158 = arith.constant 1 : i32
      %get3A_1159 = arith.index_cast %get3A_1157 : i32 to index
      %get3A_1160 = arith.index_cast %get3A_1158 : i32 to index
      %get3A_1161 = arith.constant 80 : index
      %get3A_1162 = tpu.vector_load %arg5[%get3A_1159, %get3A_1160, %get3A_1161] {strides = array<i32>} : memref<2x2x128xi32, #tpu.memory_space<vmem>>, vector<1x1x16xi32>,
      %get3A_1163 = vector.shape_cast %get3A_1162 : vector<1x1x16xi32> to vector<16xi32>
      %add3A_1164 = arith.constant 1 : i32
      %add3A_1165 = vector.broadcast %add3A_1164 : i32 to vector<16xi32>
      %add3A_1166 = arith.addi %get3A_1163, %add3A_1165 : vector<16xi32>
      %swap3A_1167 = arith.constant 0 : i32
      %swap3A_1168 = arith.constant 1 : i32
      %swap3A_1169 = arith.index_cast %swap3A_1167 : i32 to index
      %swap3A_1170 = arith.index_cast %swap3A_1168 : i32 to index
      %swap3A_1171 = arith.constant 80 : index
      %swap3A_1172 = tpu.vector_load %arg5[%swap3A_1169, %swap3A_1170, %swap3A_1171] {strides = array<i32>} : memref<2x2x128xi32, #tpu.memory_space<vmem>>, vector<1x1x16xi32>,
      %swap3A_1173 = vector.shape_cast %swap3A_1172 : vector<1x1x16xi32> to vector<16xi32>
      %swap3A_1174 = vector.shape_cast %add3A_1166 : vector<16xi32> to vector<1x1x16xi32>
      tpu.vector_store %arg5[%swap3A_1169, %swap3A_1170, %swap3A_1171], %swap3A_1174 {strides = array<i32>} : memref<2x2x128xi32, #tpu.memory_space<vmem>>, vector<1x1x16xi32>,
      %get3A_1175 = arith.constant 0 : i32
      %get3A_1176 = arith.constant 1 : i32
      %get3A_1177 = arith.index_cast %get3A_1175 : i32 to index
      %get3A_1178 = arith.index_cast %get3A_1176 : i32 to index
      %get3A_1179 = arith.constant 96 : index
      %get3A_1180 = tpu.vector_load %arg5[%get3A_1177, %get3A_1178, %get3A_1179] {strides = array<i32>} : memref<2x2x128xi32, #tpu.memory_space<vmem>>, vector<1x1x16xi32>,
      %get3A_1181 = vector.shape_cast %get3A_1180 : vector<1x1x16xi32> to vector<16xi32>
      %add3A_1182 = arith.constant 1 : i32
      %add3A_1183 = vector.broadcast %add3A_1182 : i32 to vector<16xi32>
      %add3A_1184 = arith.addi %get3A_1181, %add3A_1183 : vector<16xi32>
      %swap3A_1185 = arith.constant 0 : i32
      %swap3A_1186 = arith.constant 1 : i32
      %swap3A_1187 = arith.index_cast %swap3A_1185 : i32 to index
      %swap3A_1188 = arith.index_cast %swap3A_1186 : i32 to index
      %swap3A_1189 = arith.constant 96 : index
      %swap3A_1190 = tpu.vector_load %arg5[%swap3A_1187, %swap3A_1188, %swap3A_1189] {strides = array<i32>} : memref<2x2x128xi32, #tpu.memory_space<vmem>>, vector<1x1x16xi32>,
      %swap3A_1191 = vector.shape_cast %swap3A_1190 : vector<1x1x16xi32> to vector<16xi32>
      %swap3A_1192 = vector.shape_cast %add3A_1184 : vector<16xi32> to vector<1x1x16xi32>
      tpu.vector_store %arg5[%swap3A_1187, %swap3A_1188, %swap3A_1189], %swap3A_1192 {strides = array<i32>} : memref<2x2x128xi32, #tpu.memory_space<vmem>>, vector<1x1x16xi32>,
      %get3A_1193 = arith.constant 0 : i32
      %get3A_1194 = arith.constant 1 : i32
      %get3A_1195 = arith.index_cast %get3A_1193 : i32 to index
      %get3A_1196 = arith.index_cast %get3A_1194 : i32 to index
      %get3A_1197 = arith.constant 112 : index
      %get3A_1198 = tpu.vector_load %arg5[%get3A_1195, %get3A_1196, %get3A_1197] {strides = array<i32>} : memref<2x2x128xi32, #tpu.memory_space<vmem>>, vector<1x1x16xi32>,
      %get3A_1199 = vector.shape_cast %get3A_1198 : vector<1x1x16xi32> to vector<16xi32>
      %add3A_1200 = arith.constant 1 : i32
      %add3A_1201 = vector.broadcast %add3A_1200 : i32 to vector<16xi32>
      %add3A_1202 = arith.addi %get3A_1199, %add3A_1201 : vector<16xi32>
      %swap3A_1203 = arith.constant 0 : i32
      %swap3A_1204 = arith.constant 1 : i32
      %swap3A_1205 = arith.index_cast %swap3A_1203 : i32 to index
      %swap3A_1206 = arith.index_cast %swap3A_1204 : i32 to index
      %swap3A_1207 = arith.constant 112 : index
      %swap3A_1208 = tpu.vector_load %arg5[%swap3A_1205, %swap3A_1206, %swap3A_1207] {strides = array<i32>} : memref<2x2x128xi32, #tpu.memory_space<vmem>>, vector<1x1x16xi32>,
      %swap3A_1209 = vector.shape_cast %swap3A_1208 : vector<1x1x16xi32> to vector<16xi32>
      %swap3A_1210 = vector.shape_cast %add3A_1202 : vector<16xi32> to vector<1x1x16xi32>
      tpu.vector_store %arg5[%swap3A_1205, %swap3A_1206, %swap3A_1207], %swap3A_1210 {strides = array<i32>} : memref<2x2x128xi32, #tpu.memory_space<vmem>>, vector<1x1x16xi32>,
      %dma_start3A_1211 = arith.constant 0 : i32
      %dma_start3A_1212 = arith.constant 0 : i32
      %dma_start3A_1213 = arith.constant 0 : i32
      %dma_start3A_1214 = arith.constant 0 : i32
      %dma_start3A_1215 = arith.constant 0 : i32
      %dma_start3A_1216 = tpu.memref_slice %arg6[%dma_start3A_1213, %dma_start3A_1214, %dma_start3A_1215] : memref<2x256x128xf32, #tpu.memory_space<vmem>> -> memref<1x256x128xf32, #tpu.memory_space<vmem>>
      %dma_start3A_1217 = tpu.memref_squeeze %dma_start3A_1216 : memref<1x256x128xf32, #tpu.memory_space<vmem>> -> memref<256x128xf32, #tpu.memory_space<vmem>>
      %dma_start3A_1218 = arith.constant 0 : i32
      %dma_start3A_1219 = arith.constant 0 : i32
      %dma_start3A_1220 = tpu.memref_slice %dma_start3A_1217[%dma_start3A_1218, %dma_start3A_1219] : memref<256x128xf32, #tpu.memory_space<vmem>> -> memref<128x128xf32, #tpu.memory_space<vmem>>
      %dma_start3A_1221 = arith.constant 0 : i32
      %dma_start3A_1222 = tpu.memref_slice %arg5[%dma_start3A_1211, %dma_start3A_1212, %dma_start3A_1221] : memref<2x2x128xi32, #tpu.memory_space<vmem>> -> memref<1x1x128xi32, #tpu.memory_space<vmem>>
      %dma_start3A_1223 = tpu.memref_squeeze %dma_start3A_1222 : memref<1x1x128xi32, #tpu.memory_space<vmem>> -> memref<128xi32, #tpu.memory_space<vmem>>
      %dma_start3A_1224 = arith.constant 0 : i32
      %dma_start3A_1225 = arith.constant 0 : i32
      %dma_start3A_1226 = tpu.memref_slice %arg3[%dma_start3A_1224, %dma_start3A_1225] : memref<1001x128xf32, #tpu.memory_space<hbm>> -> memref<1001x128xf32, #tpu.memory_space<hbm>>
      tpu.enqueue_indirect_dma source(%dma_start3A_1226 : memref<1001x128xf32, #tpu.memory_space<hbm>>) target(%dma_start3A_1220 : memref<128x128xf32, #tpu.memory_space<vmem>>) offsets(%dma_start3A_1223 : memref<128xi32, #tpu.memory_space<vmem>>) semaphore(%arg7 : memref<!tpu.dma_semaphore, #tpu.memory_space<semaphore_mem>>)
      %dma_start3A_1227 = arith.constant 0 : i32
      %dma_start3A_1228 = arith.constant 1 : i32
      %dma_start3A_1229 = arith.constant 0 : i32
      %dma_start3A_1230 = arith.constant 0 : i32
      %dma_start3A_1231 = arith.constant 0 : i32
      %dma_start3A_1232 = tpu.memref_slice %arg6[%dma_start3A_1229, %dma_start3A_1230, %dma_start3A_1231] : memref<2x256x128xf32, #tpu.memory_space<vmem>> -> memref<1x256x128xf32, #tpu.memory_space<vmem>>
      %dma_start3A_1233 = tpu.memref_squeeze %dma_start3A_1232 : memref<1x256x128xf32, #tpu.memory_space<vmem>> -> memref<256x128xf32, #tpu.memory_space<vmem>>
      %dma_start3A_1234 = arith.constant 128 : i32
      %dma_start3A_1235 = arith.constant 0 : i32
      %dma_start3A_1236 = tpu.memref_slice %dma_start3A_1233[%dma_start3A_1234, %dma_start3A_1235] : memref<256x128xf32, #tpu.memory_space<vmem>> -> memref<128x128xf32, #tpu.memory_space<vmem>>
      %dma_start3A_1237 = arith.constant 0 : i32
      %dma_start3A_1238 = tpu.memref_slice %arg5[%dma_start3A_1227, %dma_start3A_1228, %dma_start3A_1237] : memref<2x2x128xi32, #tpu.memory_space<vmem>> -> memref<1x1x128xi32, #tpu.memory_space<vmem>>
      %dma_start3A_1239 = tpu.memref_squeeze %dma_start3A_1238 : memref<1x1x128xi32, #tpu.memory_space<vmem>> -> memref<128xi32, #tpu.memory_space<vmem>>
      %dma_start3A_1240 = arith.constant 0 : i32
      %dma_start3A_1241 = arith.constant 0 : i32
      %dma_start3A_1242 = tpu.memref_slice %arg3[%dma_start3A_1240, %dma_start3A_1241] : memref<1001x128xf32, #tpu.memory_space<hbm>> -> memref<1001x128xf32, #tpu.memory_space<hbm>>
      tpu.enqueue_indirect_dma source(%dma_start3A_1242 : memref<1001x128xf32, #tpu.memory_space<hbm>>) target(%dma_start3A_1236 : memref<128x128xf32, #tpu.memory_space<vmem>>) offsets(%dma_start3A_1239 : memref<128xi32, #tpu.memory_space<vmem>>) semaphore(%arg7 : memref<!tpu.dma_semaphore, #tpu.memory_space<semaphore_mem>>)
      %add3A_1243 = arith.constant 1 : i32
      %add3A_1244 = arith.addi %mul3A_788, %add3A_1243 : i32
      %mul3A_1245 = arith.constant 25600 : i32
      %mul3A_1246 = arith.muli %add3A, %mul3A_1245 : i32
      %mul3A_1247 = arith.constant 256 : i32
      %mul3A_1248 = arith.muli %add3A_1244, %mul3A_1247 : i32
      %add3A_1249 = arith.addi %mul3A_1246, %mul3A_1248 : i32
      %dma_wait3A_1250 = arith.constant 1 : i32
      %dma_wait3A_1251 = arith.constant 0 : i32
      %dma_wait3A_1252 = arith.constant 0 : i32
      %dma_wait3A_1253 = tpu.memref_slice %arg6[%dma_wait3A_1250, %dma_wait3A_1251, %dma_wait3A_1252] : memref<2x256x128xf32, #tpu.memory_space<vmem>> -> memref<1x256x128xf32, #tpu.memory_space<vmem>>
      %dma_wait3A_1254 = tpu.memref_squeeze %dma_wait3A_1253 : memref<1x256x128xf32, #tpu.memory_space<vmem>> -> memref<256x128xf32, #tpu.memory_space<vmem>>
      %dma_wait3A_1255 = arith.constant 0 : i32
      %dma_wait3A_1256 = tpu.memref_slice %arg4[%add3A_1249, %dma_wait3A_1255] : memref<819200x128xf32, #tpu.memory_space<hbm>> -> memref<256x128xf32, #tpu.memory_space<hbm>>
      %dma_wait3A_1257 = arith.constant 0 : i32
      %dma_wait3A_1258 = tpu.memref_slice %arg4[%add3A_1249, %dma_wait3A_1257] : memref<819200x128xf32, #tpu.memory_space<hbm>> -> memref<256x128xf32, #tpu.memory_space<hbm>>
      %dma_wait3A_1259 = arith.constant 0 : i32
      %dma_wait3A_1260 = arith.constant 0 : i32
      %dma_wait3A_1261 = tpu.memref_slice %arg6[%dma_wait3A_1250, %dma_wait3A_1259, %dma_wait3A_1260] : memref<2x256x128xf32, #tpu.memory_space<vmem>> -> memref<1x256x128xf32, #tpu.memory_space<vmem>>
      %dma_wait3A_1262 = tpu.memref_squeeze %dma_wait3A_1261 : memref<1x256x128xf32, #tpu.memory_space<vmem>> -> memref<256x128xf32, #tpu.memory_space<vmem>>
      tpu.wait_dma2 semaphore(%arg10 : memref<!tpu.dma_semaphore, #tpu.memory_space<semaphore_mem>>) src(%dma_wait3A_1262 : memref<256x128xf32, #tpu.memory_space<vmem>>) dst(%dma_wait3A_1258 : memref<256x128xf32, #tpu.memory_space<hbm>>)
      %add3A_1263 = arith.constant 1 : i32
      %add3A_1264 = arith.addi %mul3A_788, %add3A_1263 : i32
      %add3A_1265 = arith.constant 2 : i32
      %add3A_1266 = arith.addi %add3A_1264, %add3A_1265 : i32
      %mul3A_1267 = arith.constant 200 : i32
      %mul3A_1268 = arith.muli %add3A, %mul3A_1267 : i32
      %mul3A_1269 = arith.constant 2 : i32
      %mul3A_1270 = arith.muli %add3A_1266, %mul3A_1269 : i32
      %add3A_1271 = arith.addi %mul3A_1268, %mul3A_1270 : i32
      %run_scoped3A_1272 = arith.constant 1 : i32
      "tpu.region"() ({
        %run_scoped3A_1593 = tpu.sem_alloc : memref<!tpu.dma_semaphore, #tpu.memory_space<semaphore_mem>>
        %dma_start3A_1594 = arith.constant 0 : i32
        %dma_start3A_1595 = arith.constant 0 : i32
        %dma_start3A_1596 = tpu.memref_slice %arg5[%run_scoped3A_1272, %dma_start3A_1594, %dma_start3A_1595] : memref<2x2x128xi32, #tpu.memory_space<vmem>> -> memref<1x2x128xi32, #tpu.memory_space<vmem>>
        %dma_start3A_1597 = tpu.memref_squeeze %dma_start3A_1596 : memref<1x2x128xi32, #tpu.memory_space<vmem>> -> memref<2x128xi32, #tpu.memory_space<vmem>>
        %dma_start3A_1598 = arith.constant 0 : i32
        %dma_start3A_1599 = tpu.memref_slice %arg2[%add3A_1271, %dma_start3A_1598] : memref<6400x128xi32, #tpu.memory_space<hbm>> -> memref<2x128xi32, #tpu.memory_space<hbm>>
        %dma_start3A_1600 = arith.constant 0 : i32
        %dma_start3A_1601 = arith.constant 0 : i32
        %dma_start3A_1602 = tpu.memref_slice %arg5[%run_scoped3A_1272, %dma_start3A_1600, %dma_start3A_1601] : memref<2x2x128xi32, #tpu.memory_space<vmem>> -> memref<1x2x128xi32, #tpu.memory_space<vmem>>
        %dma_start3A_1603 = tpu.memref_squeeze %dma_start3A_1602 : memref<1x2x128xi32, #tpu.memory_space<vmem>> -> memref<2x128xi32, #tpu.memory_space<vmem>>
        %dma_start3A_1604 = arith.constant 0 : i32
        %dma_start3A_1605 = tpu.memref_slice %arg2[%add3A_1271, %dma_start3A_1604] : memref<6400x128xi32, #tpu.memory_space<hbm>> -> memref<2x128xi32, #tpu.memory_space<hbm>>
        tpu.enqueue_dma source(%dma_start3A_1605 : memref<2x128xi32, #tpu.memory_space<hbm>>) target(%dma_start3A_1603 : memref<2x128xi32, #tpu.memory_space<vmem>>) target_semaphore(%run_scoped3A_1593 : memref<!tpu.dma_semaphore, #tpu.memory_space<semaphore_mem>>)
        %dma_wait3A_1606 = arith.constant 0 : i32
        %dma_wait3A_1607 = arith.constant 0 : i32
        %dma_wait3A_1608 = tpu.memref_slice %arg5[%run_scoped3A_1272, %dma_wait3A_1606, %dma_wait3A_1607] : memref<2x2x128xi32, #tpu.memory_space<vmem>> -> memref<1x2x128xi32, #tpu.memory_space<vmem>>
        %dma_wait3A_1609 = tpu.memref_squeeze %dma_wait3A_1608 : memref<1x2x128xi32, #tpu.memory_space<vmem>> -> memref<2x128xi32, #tpu.memory_space<vmem>>
        %dma_wait3A_1610 = arith.constant 0 : i32
        %dma_wait3A_1611 = tpu.memref_slice %arg2[%add3A_1271, %dma_wait3A_1610] : memref<6400x128xi32, #tpu.memory_space<hbm>> -> memref<2x128xi32, #tpu.memory_space<hbm>>
        %dma_wait3A_1612 = arith.constant 0 : i32
        %dma_wait3A_1613 = arith.constant 0 : i32
        %dma_wait3A_1614 = tpu.memref_slice %arg5[%run_scoped3A_1272, %dma_wait3A_1612, %dma_wait3A_1613] : memref<2x2x128xi32, #tpu.memory_space<vmem>> -> memref<1x2x128xi32, #tpu.memory_space<vmem>>
        %dma_wait3A_1615 = tpu.memref_squeeze %dma_wait3A_1614 : memref<1x2x128xi32, #tpu.memory_space<vmem>> -> memref<2x128xi32, #tpu.memory_space<vmem>>
        %dma_wait3A_1616 = arith.constant 0 : i32
        %dma_wait3A_1617 = tpu.memref_slice %arg2[%add3A_1271, %dma_wait3A_1616] : memref<6400x128xi32, #tpu.memory_space<hbm>> -> memref<2x128xi32, #tpu.memory_space<hbm>>
        tpu.wait_dma2 semaphore(%run_scoped3A_1593 : memref<!tpu.dma_semaphore, #tpu.memory_space<semaphore_mem>>) src(%dma_wait3A_1617 : memref<2x128xi32, #tpu.memory_space<hbm>>) dst(%dma_wait3A_1615 : memref<2x128xi32, #tpu.memory_space<vmem>>)
        tpu.yield
      }) : () -> ()
      %get3A_1273 = arith.constant 1 : i32
      %get3A_1274 = arith.constant 0 : i32
      %get3A_1275 = arith.index_cast %get3A_1273 : i32 to index
      %get3A_1276 = arith.index_cast %get3A_1274 : i32 to index
      %get3A_1277 = arith.constant 0 : index
      %get3A_1278 = tpu.vector_load %arg5[%get3A_1275, %get3A_1276, %get3A_1277] {strides = array<i32>} : memref<2x2x128xi32, #tpu.memory_space<vmem>>, vector<1x1x16xi32>,
      %get3A_1279 = vector.shape_cast %get3A_1278 : vector<1x1x16xi32> to vector<16xi32>
      %add3A_1280 = arith.constant 1 : i32
      %add3A_1281 = vector.broadcast %add3A_1280 : i32 to vector<16xi32>
      %add3A_1282 = arith.addi %get3A_1279, %add3A_1281 : vector<16xi32>
      %swap3A_1283 = arith.constant 1 : i32
      %swap3A_1284 = arith.constant 0 : i32
      %swap3A_1285 = arith.index_cast %swap3A_1283 : i32 to index
      %swap3A_1286 = arith.index_cast %swap3A_1284 : i32 to index
      %swap3A_1287 = arith.constant 0 : index
      %swap3A_1288 = tpu.vector_load %arg5[%swap3A_1285, %swap3A_1286, %swap3A_1287] {strides = array<i32>} : memref<2x2x128xi32, #tpu.memory_space<vmem>>, vector<1x1x16xi32>,
      %swap3A_1289 = vector.shape_cast %swap3A_1288 : vector<1x1x16xi32> to vector<16xi32>
      %swap3A_1290 = vector.shape_cast %add3A_1282 : vector<16xi32> to vector<1x1x16xi32>
      tpu.vector_store %arg5[%swap3A_1285, %swap3A_1286, %swap3A_1287], %swap3A_1290 {strides = array<i32>} : memref<2x2x128xi32, #tpu.memory_space<vmem>>, vector<1x1x16xi32>,
      %get3A_1291 = arith.constant 1 : i32
      %get3A_1292 = arith.constant 0 : i32
      %get3A_1293 = arith.index_cast %get3A_1291 : i32 to index
      %get3A_1294 = arith.index_cast %get3A_1292 : i32 to index
      %get3A_1295 = arith.constant 16 : index
      %get3A_1296 = tpu.vector_load %arg5[%get3A_1293, %get3A_1294, %get3A_1295] {strides = array<i32>} : memref<2x2x128xi32, #tpu.memory_space<vmem>>, vector<1x1x16xi32>,
      %get3A_1297 = vector.shape_cast %get3A_1296 : vector<1x1x16xi32> to vector<16xi32>
      %add3A_1298 = arith.constant 1 : i32
      %add3A_1299 = vector.broadcast %add3A_1298 : i32 to vector<16xi32>
      %add3A_1300 = arith.addi %get3A_1297, %add3A_1299 : vector<16xi32>
      %swap3A_1301 = arith.constant 1 : i32
      %swap3A_1302 = arith.constant 0 : i32
      %swap3A_1303 = arith.index_cast %swap3A_1301 : i32 to index
      %swap3A_1304 = arith.index_cast %swap3A_1302 : i32 to index
      %swap3A_1305 = arith.constant 16 : index
      %swap3A_1306 = tpu.vector_load %arg5[%swap3A_1303, %swap3A_1304, %swap3A_1305] {strides = array<i32>} : memref<2x2x128xi32, #tpu.memory_space<vmem>>, vector<1x1x16xi32>,
      %swap3A_1307 = vector.shape_cast %swap3A_1306 : vector<1x1x16xi32> to vector<16xi32>
      %swap3A_1308 = vector.shape_cast %add3A_1300 : vector<16xi32> to vector<1x1x16xi32>
      tpu.vector_store %arg5[%swap3A_1303, %swap3A_1304, %swap3A_1305], %swap3A_1308 {strides = array<i32>} : memref<2x2x128xi32, #tpu.memory_space<vmem>>, vector<1x1x16xi32>,
      %get3A_1309 = arith.constant 1 : i32
      %get3A_1310 = arith.constant 0 : i32
      %get3A_1311 = arith.index_cast %get3A_1309 : i32 to index
      %get3A_1312 = arith.index_cast %get3A_1310 : i32 to index
      %get3A_1313 = arith.constant 32 : index
      %get3A_1314 = tpu.vector_load %arg5[%get3A_1311, %get3A_1312, %get3A_1313] {strides = array<i32>} : memref<2x2x128xi32, #tpu.memory_space<vmem>>, vector<1x1x16xi32>,
      %get3A_1315 = vector.shape_cast %get3A_1314 : vector<1x1x16xi32> to vector<16xi32>
      %add3A_1316 = arith.constant 1 : i32
      %add3A_1317 = vector.broadcast %add3A_1316 : i32 to vector<16xi32>
      %add3A_1318 = arith.addi %get3A_1315, %add3A_1317 : vector<16xi32>
      %swap3A_1319 = arith.constant 1 : i32
      %swap3A_1320 = arith.constant 0 : i32
      %swap3A_1321 = arith.index_cast %swap3A_1319 : i32 to index
      %swap3A_1322 = arith.index_cast %swap3A_1320 : i32 to index
      %swap3A_1323 = arith.constant 32 : index
      %swap3A_1324 = tpu.vector_load %arg5[%swap3A_1321, %swap3A_1322, %swap3A_1323] {strides = array<i32>} : memref<2x2x128xi32, #tpu.memory_space<vmem>>, vector<1x1x16xi32>,
      %swap3A_1325 = vector.shape_cast %swap3A_1324 : vector<1x1x16xi32> to vector<16xi32>
      %swap3A_1326 = vector.shape_cast %add3A_1318 : vector<16xi32> to vector<1x1x16xi32>
      tpu.vector_store %arg5[%swap3A_1321, %swap3A_1322, %swap3A_1323], %swap3A_1326 {strides = array<i32>} : memref<2x2x128xi32, #tpu.memory_space<vmem>>, vector<1x1x16xi32>,
      %get3A_1327 = arith.constant 1 : i32
      %get3A_1328 = arith.constant 0 : i32
      %get3A_1329 = arith.index_cast %get3A_1327 : i32 to index
      %get3A_1330 = arith.index_cast %get3A_1328 : i32 to index
      %get3A_1331 = arith.constant 48 : index
      %get3A_1332 = tpu.vector_load %arg5[%get3A_1329, %get3A_1330, %get3A_1331] {strides = array<i32>} : memref<2x2x128xi32, #tpu.memory_space<vmem>>, vector<1x1x16xi32>,
      %get3A_1333 = vector.shape_cast %get3A_1332 : vector<1x1x16xi32> to vector<16xi32>
      %add3A_1334 = arith.constant 1 : i32
      %add3A_1335 = vector.broadcast %add3A_1334 : i32 to vector<16xi32>
      %add3A_1336 = arith.addi %get3A_1333, %add3A_1335 : vector<16xi32>
      %swap3A_1337 = arith.constant 1 : i32
      %swap3A_1338 = arith.constant 0 : i32
      %swap3A_1339 = arith.index_cast %swap3A_1337 : i32 to index
      %swap3A_1340 = arith.index_cast %swap3A_1338 : i32 to index
      %swap3A_1341 = arith.constant 48 : index
      %swap3A_1342 = tpu.vector_load %arg5[%swap3A_1339, %swap3A_1340, %swap3A_1341] {strides = array<i32>} : memref<2x2x128xi32, #tpu.memory_space<vmem>>, vector<1x1x16xi32>,
      %swap3A_1343 = vector.shape_cast %swap3A_1342 : vector<1x1x16xi32> to vector<16xi32>
      %swap3A_1344 = vector.shape_cast %add3A_1336 : vector<16xi32> to vector<1x1x16xi32>
      tpu.vector_store %arg5[%swap3A_1339, %swap3A_1340, %swap3A_1341], %swap3A_1344 {strides = array<i32>} : memref<2x2x128xi32, #tpu.memory_space<vmem>>, vector<1x1x16xi32>,
      %get3A_1345 = arith.constant 1 : i32
      %get3A_1346 = arith.constant 0 : i32
      %get3A_1347 = arith.index_cast %get3A_1345 : i32 to index
      %get3A_1348 = arith.index_cast %get3A_1346 : i32 to index
      %get3A_1349 = arith.constant 64 : index
      %get3A_1350 = tpu.vector_load %arg5[%get3A_1347, %get3A_1348, %get3A_1349] {strides = array<i32>} : memref<2x2x128xi32, #tpu.memory_space<vmem>>, vector<1x1x16xi32>,
      %get3A_1351 = vector.shape_cast %get3A_1350 : vector<1x1x16xi32> to vector<16xi32>
      %add3A_1352 = arith.constant 1 : i32
      %add3A_1353 = vector.broadcast %add3A_1352 : i32 to vector<16xi32>
      %add3A_1354 = arith.addi %get3A_1351, %add3A_1353 : vector<16xi32>
      %swap3A_1355 = arith.constant 1 : i32
      %swap3A_1356 = arith.constant 0 : i32
      %swap3A_1357 = arith.index_cast %swap3A_1355 : i32 to index
      %swap3A_1358 = arith.index_cast %swap3A_1356 : i32 to index
      %swap3A_1359 = arith.constant 64 : index
      %swap3A_1360 = tpu.vector_load %arg5[%swap3A_1357, %swap3A_1358, %swap3A_1359] {strides = array<i32>} : memref<2x2x128xi32, #tpu.memory_space<vmem>>, vector<1x1x16xi32>,
      %swap3A_1361 = vector.shape_cast %swap3A_1360 : vector<1x1x16xi32> to vector<16xi32>
      %swap3A_1362 = vector.shape_cast %add3A_1354 : vector<16xi32> to vector<1x1x16xi32>
      tpu.vector_store %arg5[%swap3A_1357, %swap3A_1358, %swap3A_1359], %swap3A_1362 {strides = array<i32>} : memref<2x2x128xi32, #tpu.memory_space<vmem>>, vector<1x1x16xi32>,
      %get3A_1363 = arith.constant 1 : i32
      %get3A_1364 = arith.constant 0 : i32
      %get3A_1365 = arith.index_cast %get3A_1363 : i32 to index
      %get3A_1366 = arith.index_cast %get3A_1364 : i32 to index
      %get3A_1367 = arith.constant 80 : index
      %get3A_1368 = tpu.vector_load %arg5[%get3A_1365, %get3A_1366, %get3A_1367] {strides = array<i32>} : memref<2x2x128xi32, #tpu.memory_space<vmem>>, vector<1x1x16xi32>,
      %get3A_1369 = vector.shape_cast %get3A_1368 : vector<1x1x16xi32> to vector<16xi32>
      %add3A_1370 = arith.constant 1 : i32
      %add3A_1371 = vector.broadcast %add3A_1370 : i32 to vector<16xi32>
      %add3A_1372 = arith.addi %get3A_1369, %add3A_1371 : vector<16xi32>
      %swap3A_1373 = arith.constant 1 : i32
      %swap3A_1374 = arith.constant 0 : i32
      %swap3A_1375 = arith.index_cast %swap3A_1373 : i32 to index
      %swap3A_1376 = arith.index_cast %swap3A_1374 : i32 to index
      %swap3A_1377 = arith.constant 80 : index
      %swap3A_1378 = tpu.vector_load %arg5[%swap3A_1375, %swap3A_1376, %swap3A_1377] {strides = array<i32>} : memref<2x2x128xi32, #tpu.memory_space<vmem>>, vector<1x1x16xi32>,
      %swap3A_1379 = vector.shape_cast %swap3A_1378 : vector<1x1x16xi32> to vector<16xi32>
      %swap3A_1380 = vector.shape_cast %add3A_1372 : vector<16xi32> to vector<1x1x16xi32>
      tpu.vector_store %arg5[%swap3A_1375, %swap3A_1376, %swap3A_1377], %swap3A_1380 {strides = array<i32>} : memref<2x2x128xi32, #tpu.memory_space<vmem>>, vector<1x1x16xi32>,
      %get3A_1381 = arith.constant 1 : i32
      %get3A_1382 = arith.constant 0 : i32
      %get3A_1383 = arith.index_cast %get3A_1381 : i32 to index
      %get3A_1384 = arith.index_cast %get3A_1382 : i32 to index
      %get3A_1385 = arith.constant 96 : index
      %get3A_1386 = tpu.vector_load %arg5[%get3A_1383, %get3A_1384, %get3A_1385] {strides = array<i32>} : memref<2x2x128xi32, #tpu.memory_space<vmem>>, vector<1x1x16xi32>,
      %get3A_1387 = vector.shape_cast %get3A_1386 : vector<1x1x16xi32> to vector<16xi32>
      %add3A_1388 = arith.constant 1 : i32
      %add3A_1389 = vector.broadcast %add3A_1388 : i32 to vector<16xi32>
      %add3A_1390 = arith.addi %get3A_1387, %add3A_1389 : vector<16xi32>
      %swap3A_1391 = arith.constant 1 : i32
      %swap3A_1392 = arith.constant 0 : i32
      %swap3A_1393 = arith.index_cast %swap3A_1391 : i32 to index
      %swap3A_1394 = arith.index_cast %swap3A_1392 : i32 to index
      %swap3A_1395 = arith.constant 96 : index
      %swap3A_1396 = tpu.vector_load %arg5[%swap3A_1393, %swap3A_1394, %swap3A_1395] {strides = array<i32>} : memref<2x2x128xi32, #tpu.memory_space<vmem>>, vector<1x1x16xi32>,
      %swap3A_1397 = vector.shape_cast %swap3A_1396 : vector<1x1x16xi32> to vector<16xi32>
      %swap3A_1398 = vector.shape_cast %add3A_1390 : vector<16xi32> to vector<1x1x16xi32>
      tpu.vector_store %arg5[%swap3A_1393, %swap3A_1394, %swap3A_1395], %swap3A_1398 {strides = array<i32>} : memref<2x2x128xi32, #tpu.memory_space<vmem>>, vector<1x1x16xi32>,
      %get3A_1399 = arith.constant 1 : i32
      %get3A_1400 = arith.constant 0 : i32
      %get3A_1401 = arith.index_cast %get3A_1399 : i32 to index
      %get3A_1402 = arith.index_cast %get3A_1400 : i32 to index
      %get3A_1403 = arith.constant 112 : index
      %get3A_1404 = tpu.vector_load %arg5[%get3A_1401, %get3A_1402, %get3A_1403] {strides = array<i32>} : memref<2x2x128xi32, #tpu.memory_space<vmem>>, vector<1x1x16xi32>,
      %get3A_1405 = vector.shape_cast %get3A_1404 : vector<1x1x16xi32> to vector<16xi32>
      %add3A_1406 = arith.constant 1 : i32
      %add3A_1407 = vector.broadcast %add3A_1406 : i32 to vector<16xi32>
      %add3A_1408 = arith.addi %get3A_1405, %add3A_1407 : vector<16xi32>
      %swap3A_1409 = arith.constant 1 : i32
      %swap3A_1410 = arith.constant 0 : i32
      %swap3A_1411 = arith.index_cast %swap3A_1409 : i32 to index
      %swap3A_1412 = arith.index_cast %swap3A_1410 : i32 to index
      %swap3A_1413 = arith.constant 112 : index
      %swap3A_1414 = tpu.vector_load %arg5[%swap3A_1411, %swap3A_1412, %swap3A_1413] {strides = array<i32>} : memref<2x2x128xi32, #tpu.memory_space<vmem>>, vector<1x1x16xi32>,
      %swap3A_1415 = vector.shape_cast %swap3A_1414 : vector<1x1x16xi32> to vector<16xi32>
      %swap3A_1416 = vector.shape_cast %add3A_1408 : vector<16xi32> to vector<1x1x16xi32>
      tpu.vector_store %arg5[%swap3A_1411, %swap3A_1412, %swap3A_1413], %swap3A_1416 {strides = array<i32>} : memref<2x2x128xi32, #tpu.memory_space<vmem>>, vector<1x1x16xi32>,
      %get3A_1417 = arith.constant 1 : i32
      %get3A_1418 = arith.constant 1 : i32
      %get3A_1419 = arith.index_cast %get3A_1417 : i32 to index
      %get3A_1420 = arith.index_cast %get3A_1418 : i32 to index
      %get3A_1421 = arith.constant 0 : index
      %get3A_1422 = tpu.vector_load %arg5[%get3A_1419, %get3A_1420, %get3A_1421] {strides = array<i32>} : memref<2x2x128xi32, #tpu.memory_space<vmem>>, vector<1x1x16xi32>,
      %get3A_1423 = vector.shape_cast %get3A_1422 : vector<1x1x16xi32> to vector<16xi32>
      %add3A_1424 = arith.constant 1 : i32
      %add3A_1425 = vector.broadcast %add3A_1424 : i32 to vector<16xi32>
      %add3A_1426 = arith.addi %get3A_1423, %add3A_1425 : vector<16xi32>
      %swap3A_1427 = arith.constant 1 : i32
      %swap3A_1428 = arith.constant 1 : i32
      %swap3A_1429 = arith.index_cast %swap3A_1427 : i32 to index
      %swap3A_1430 = arith.index_cast %swap3A_1428 : i32 to index
      %swap3A_1431 = arith.constant 0 : index
      %swap3A_1432 = tpu.vector_load %arg5[%swap3A_1429, %swap3A_1430, %swap3A_1431] {strides = array<i32>} : memref<2x2x128xi32, #tpu.memory_space<vmem>>, vector<1x1x16xi32>,
      %swap3A_1433 = vector.shape_cast %swap3A_1432 : vector<1x1x16xi32> to vector<16xi32>
      %swap3A_1434 = vector.shape_cast %add3A_1426 : vector<16xi32> to vector<1x1x16xi32>
      tpu.vector_store %arg5[%swap3A_1429, %swap3A_1430, %swap3A_1431], %swap3A_1434 {strides = array<i32>} : memref<2x2x128xi32, #tpu.memory_space<vmem>>, vector<1x1x16xi32>,
      %get3A_1435 = arith.constant 1 : i32
      %get3A_1436 = arith.constant 1 : i32
      %get3A_1437 = arith.index_cast %get3A_1435 : i32 to index
      %get3A_1438 = arith.index_cast %get3A_1436 : i32 to index
      %get3A_1439 = arith.constant 16 : index
      %get3A_1440 = tpu.vector_load %arg5[%get3A_1437, %get3A_1438, %get3A_1439] {strides = array<i32>} : memref<2x2x128xi32, #tpu.memory_space<vmem>>, vector<1x1x16xi32>,
      %get3A_1441 = vector.shape_cast %get3A_1440 : vector<1x1x16xi32> to vector<16xi32>
      %add3A_1442 = arith.constant 1 : i32
      %add3A_1443 = vector.broadcast %add3A_1442 : i32 to vector<16xi32>
      %add3A_1444 = arith.addi %get3A_1441, %add3A_1443 : vector<16xi32>
      %swap3A_1445 = arith.constant 1 : i32
      %swap3A_1446 = arith.constant 1 : i32
      %swap3A_1447 = arith.index_cast %swap3A_1445 : i32 to index
      %swap3A_1448 = arith.index_cast %swap3A_1446 : i32 to index
      %swap3A_1449 = arith.constant 16 : index
      %swap3A_1450 = tpu.vector_load %arg5[%swap3A_1447, %swap3A_1448, %swap3A_1449] {strides = array<i32>} : memref<2x2x128xi32, #tpu.memory_space<vmem>>, vector<1x1x16xi32>,
      %swap3A_1451 = vector.shape_cast %swap3A_1450 : vector<1x1x16xi32> to vector<16xi32>
      %swap3A_1452 = vector.shape_cast %add3A_1444 : vector<16xi32> to vector<1x1x16xi32>
      tpu.vector_store %arg5[%swap3A_1447, %swap3A_1448, %swap3A_1449], %swap3A_1452 {strides = array<i32>} : memref<2x2x128xi32, #tpu.memory_space<vmem>>, vector<1x1x16xi32>,
      %get3A_1453 = arith.constant 1 : i32
      %get3A_1454 = arith.constant 1 : i32
      %get3A_1455 = arith.index_cast %get3A_1453 : i32 to index
      %get3A_1456 = arith.index_cast %get3A_1454 : i32 to index
      %get3A_1457 = arith.constant 32 : index
      %get3A_1458 = tpu.vector_load %arg5[%get3A_1455, %get3A_1456, %get3A_1457] {strides = array<i32>} : memref<2x2x128xi32, #tpu.memory_space<vmem>>, vector<1x1x16xi32>,
      %get3A_1459 = vector.shape_cast %get3A_1458 : vector<1x1x16xi32> to vector<16xi32>
      %add3A_1460 = arith.constant 1 : i32
      %add3A_1461 = vector.broadcast %add3A_1460 : i32 to vector<16xi32>
      %add3A_1462 = arith.addi %get3A_1459, %add3A_1461 : vector<16xi32>
      %swap3A_1463 = arith.constant 1 : i32
      %swap3A_1464 = arith.constant 1 : i32
      %swap3A_1465 = arith.index_cast %swap3A_1463 : i32 to index
      %swap3A_1466 = arith.index_cast %swap3A_1464 : i32 to index
      %swap3A_1467 = arith.constant 32 : index
      %swap3A_1468 = tpu.vector_load %arg5[%swap3A_1465, %swap3A_1466, %swap3A_1467] {strides = array<i32>} : memref<2x2x128xi32, #tpu.memory_space<vmem>>, vector<1x1x16xi32>,
      %swap3A_1469 = vector.shape_cast %swap3A_1468 : vector<1x1x16xi32> to vector<16xi32>
      %swap3A_1470 = vector.shape_cast %add3A_1462 : vector<16xi32> to vector<1x1x16xi32>
      tpu.vector_store %arg5[%swap3A_1465, %swap3A_1466, %swap3A_1467], %swap3A_1470 {strides = array<i32>} : memref<2x2x128xi32, #tpu.memory_space<vmem>>, vector<1x1x16xi32>,
      %get3A_1471 = arith.constant 1 : i32
      %get3A_1472 = arith.constant 1 : i32
      %get3A_1473 = arith.index_cast %get3A_1471 : i32 to index
      %get3A_1474 = arith.index_cast %get3A_1472 : i32 to index
      %get3A_1475 = arith.constant 48 : index
      %get3A_1476 = tpu.vector_load %arg5[%get3A_1473, %get3A_1474, %get3A_1475] {strides = array<i32>} : memref<2x2x128xi32, #tpu.memory_space<vmem>>, vector<1x1x16xi32>,
      %get3A_1477 = vector.shape_cast %get3A_1476 : vector<1x1x16xi32> to vector<16xi32>
      %add3A_1478 = arith.constant 1 : i32
      %add3A_1479 = vector.broadcast %add3A_1478 : i32 to vector<16xi32>
      %add3A_1480 = arith.addi %get3A_1477, %add3A_1479 : vector<16xi32>
      %swap3A_1481 = arith.constant 1 : i32
      %swap3A_1482 = arith.constant 1 : i32
      %swap3A_1483 = arith.index_cast %swap3A_1481 : i32 to index
      %swap3A_1484 = arith.index_cast %swap3A_1482 : i32 to index
      %swap3A_1485 = arith.constant 48 : index
      %swap3A_1486 = tpu.vector_load %arg5[%swap3A_1483, %swap3A_1484, %swap3A_1485] {strides = array<i32>} : memref<2x2x128xi32, #tpu.memory_space<vmem>>, vector<1x1x16xi32>,
      %swap3A_1487 = vector.shape_cast %swap3A_1486 : vector<1x1x16xi32> to vector<16xi32>
      %swap3A_1488 = vector.shape_cast %add3A_1480 : vector<16xi32> to vector<1x1x16xi32>
      tpu.vector_store %arg5[%swap3A_1483, %swap3A_1484, %swap3A_1485], %swap3A_1488 {strides = array<i32>} : memref<2x2x128xi32, #tpu.memory_space<vmem>>, vector<1x1x16xi32>,
      %get3A_1489 = arith.constant 1 : i32
      %get3A_1490 = arith.constant 1 : i32
      %get3A_1491 = arith.index_cast %get3A_1489 : i32 to index
      %get3A_1492 = arith.index_cast %get3A_1490 : i32 to index
      %get3A_1493 = arith.constant 64 : index
      %get3A_1494 = tpu.vector_load %arg5[%get3A_1491, %get3A_1492, %get3A_1493] {strides = array<i32>} : memref<2x2x128xi32, #tpu.memory_space<vmem>>, vector<1x1x16xi32>,
      %get3A_1495 = vector.shape_cast %get3A_1494 : vector<1x1x16xi32> to vector<16xi32>
      %add3A_1496 = arith.constant 1 : i32
      %add3A_1497 = vector.broadcast %add3A_1496 : i32 to vector<16xi32>
      %add3A_1498 = arith.addi %get3A_1495, %add3A_1497 : vector<16xi32>
      %swap3A_1499 = arith.constant 1 : i32
      %swap3A_1500 = arith.constant 1 : i32
      %swap3A_1501 = arith.index_cast %swap3A_1499 : i32 to index
      %swap3A_1502 = arith.index_cast %swap3A_1500 : i32 to index
      %swap3A_1503 = arith.constant 64 : index
      %swap3A_1504 = tpu.vector_load %arg5[%swap3A_1501, %swap3A_1502, %swap3A_1503] {strides = array<i32>} : memref<2x2x128xi32, #tpu.memory_space<vmem>>, vector<1x1x16xi32>,
      %swap3A_1505 = vector.shape_cast %swap3A_1504 : vector<1x1x16xi32> to vector<16xi32>
      %swap3A_1506 = vector.shape_cast %add3A_1498 : vector<16xi32> to vector<1x1x16xi32>
      tpu.vector_store %arg5[%swap3A_1501, %swap3A_1502, %swap3A_1503], %swap3A_1506 {strides = array<i32>} : memref<2x2x128xi32, #tpu.memory_space<vmem>>, vector<1x1x16xi32>,
      %get3A_1507 = arith.constant 1 : i32
      %get3A_1508 = arith.constant 1 : i32
      %get3A_1509 = arith.index_cast %get3A_1507 : i32 to index
      %get3A_1510 = arith.index_cast %get3A_1508 : i32 to index
      %get3A_1511 = arith.constant 80 : index
      %get3A_1512 = tpu.vector_load %arg5[%get3A_1509, %get3A_1510, %get3A_1511] {strides = array<i32>} : memref<2x2x128xi32, #tpu.memory_space<vmem>>, vector<1x1x16xi32>,
      %get3A_1513 = vector.shape_cast %get3A_1512 : vector<1x1x16xi32> to vector<16xi32>
      %add3A_1514 = arith.constant 1 : i32
      %add3A_1515 = vector.broadcast %add3A_1514 : i32 to vector<16xi32>
      %add3A_1516 = arith.addi %get3A_1513, %add3A_1515 : vector<16xi32>
      %swap3A_1517 = arith.constant 1 : i32
      %swap3A_1518 = arith.constant 1 : i32
      %swap3A_1519 = arith.index_cast %swap3A_1517 : i32 to index
      %swap3A_1520 = arith.index_cast %swap3A_1518 : i32 to index
      %swap3A_1521 = arith.constant 80 : index
      %swap3A_1522 = tpu.vector_load %arg5[%swap3A_1519, %swap3A_1520, %swap3A_1521] {strides = array<i32>} : memref<2x2x128xi32, #tpu.memory_space<vmem>>, vector<1x1x16xi32>,
      %swap3A_1523 = vector.shape_cast %swap3A_1522 : vector<1x1x16xi32> to vector<16xi32>
      %swap3A_1524 = vector.shape_cast %add3A_1516 : vector<16xi32> to vector<1x1x16xi32>
      tpu.vector_store %arg5[%swap3A_1519, %swap3A_1520, %swap3A_1521], %swap3A_1524 {strides = array<i32>} : memref<2x2x128xi32, #tpu.memory_space<vmem>>, vector<1x1x16xi32>,
      %get3A_1525 = arith.constant 1 : i32
      %get3A_1526 = arith.constant 1 : i32
      %get3A_1527 = arith.index_cast %get3A_1525 : i32 to index
      %get3A_1528 = arith.index_cast %get3A_1526 : i32 to index
      %get3A_1529 = arith.constant 96 : index
      %get3A_1530 = tpu.vector_load %arg5[%get3A_1527, %get3A_1528, %get3A_1529] {strides = array<i32>} : memref<2x2x128xi32, #tpu.memory_space<vmem>>, vector<1x1x16xi32>,
      %get3A_1531 = vector.shape_cast %get3A_1530 : vector<1x1x16xi32> to vector<16xi32>
      %add3A_1532 = arith.constant 1 : i32
      %add3A_1533 = vector.broadcast %add3A_1532 : i32 to vector<16xi32>
      %add3A_1534 = arith.addi %get3A_1531, %add3A_1533 : vector<16xi32>
      %swap3A_1535 = arith.constant 1 : i32
      %swap3A_1536 = arith.constant 1 : i32
      %swap3A_1537 = arith.index_cast %swap3A_1535 : i32 to index
      %swap3A_1538 = arith.index_cast %swap3A_1536 : i32 to index
      %swap3A_1539 = arith.constant 96 : index
      %swap3A_1540 = tpu.vector_load %arg5[%swap3A_1537, %swap3A_1538, %swap3A_1539] {strides = array<i32>} : memref<2x2x128xi32, #tpu.memory_space<vmem>>, vector<1x1x16xi32>,
      %swap3A_1541 = vector.shape_cast %swap3A_1540 : vector<1x1x16xi32> to vector<16xi32>
      %swap3A_1542 = vector.shape_cast %add3A_1534 : vector<16xi32> to vector<1x1x16xi32>
      tpu.vector_store %arg5[%swap3A_1537, %swap3A_1538, %swap3A_1539], %swap3A_1542 {strides = array<i32>} : memref<2x2x128xi32, #tpu.memory_space<vmem>>, vector<1x1x16xi32>,
      %get3A_1543 = arith.constant 1 : i32
      %get3A_1544 = arith.constant 1 : i32
      %get3A_1545 = arith.index_cast %get3A_1543 : i32 to index
      %get3A_1546 = arith.index_cast %get3A_1544 : i32 to index
      %get3A_1547 = arith.constant 112 : index
      %get3A_1548 = tpu.vector_load %arg5[%get3A_1545, %get3A_1546, %get3A_1547] {strides = array<i32>} : memref<2x2x128xi32, #tpu.memory_space<vmem>>, vector<1x1x16xi32>,
      %get3A_1549 = vector.shape_cast %get3A_1548 : vector<1x1x16xi32> to vector<16xi32>
      %add3A_1550 = arith.constant 1 : i32
      %add3A_1551 = vector.broadcast %add3A_1550 : i32 to vector<16xi32>
      %add3A_1552 = arith.addi %get3A_1549, %add3A_1551 : vector<16xi32>
      %swap3A_1553 = arith.constant 1 : i32
      %swap3A_1554 = arith.constant 1 : i32
      %swap3A_1555 = arith.index_cast %swap3A_1553 : i32 to index
      %swap3A_1556 = arith.index_cast %swap3A_1554 : i32 to index
      %swap3A_1557 = arith.constant 112 : index
      %swap3A_1558 = tpu.vector_load %arg5[%swap3A_1555, %swap3A_1556, %swap3A_1557] {strides = array<i32>} : memref<2x2x128xi32, #tpu.memory_space<vmem>>, vector<1x1x16xi32>,
      %swap3A_1559 = vector.shape_cast %swap3A_1558 : vector<1x1x16xi32> to vector<16xi32>
      %swap3A_1560 = vector.shape_cast %add3A_1552 : vector<16xi32> to vector<1x1x16xi32>
      tpu.vector_store %arg5[%swap3A_1555, %swap3A_1556, %swap3A_1557], %swap3A_1560 {strides = array<i32>} : memref<2x2x128xi32, #tpu.memory_space<vmem>>, vector<1x1x16xi32>,
      %dma_start3A_1561 = arith.constant 1 : i32
      %dma_start3A_1562 = arith.constant 0 : i32
      %dma_start3A_1563 = arith.constant 1 : i32
      %dma_start3A_1564 = arith.constant 0 : i32
      %dma_start3A_1565 = arith.constant 0 : i32
      %dma_start3A_1566 = tpu.memref_slice %arg6[%dma_start3A_1563, %dma_start3A_1564, %dma_start3A_1565] : memref<2x256x128xf32, #tpu.memory_space<vmem>> -> memref<1x256x128xf32, #tpu.memory_space<vmem>>
      %dma_start3A_1567 = tpu.memref_squeeze %dma_start3A_1566 : memref<1x256x128xf32, #tpu.memory_space<vmem>> -> memref<256x128xf32, #tpu.memory_space<vmem>>
      %dma_start3A_1568 = arith.constant 0 : i32
      %dma_start3A_1569 = arith.constant 0 : i32
      %dma_start3A_1570 = tpu.memref_slice %dma_start3A_1567[%dma_start3A_1568, %dma_start3A_1569] : memref<256x128xf32, #tpu.memory_space<vmem>> -> memref<128x128xf32, #tpu.memory_space<vmem>>
      %dma_start3A_1571 = arith.constant 0 : i32
      %dma_start3A_1572 = tpu.memref_slice %arg5[%dma_start3A_1561, %dma_start3A_1562, %dma_start3A_1571] : memref<2x2x128xi32, #tpu.memory_space<vmem>> -> memref<1x1x128xi32, #tpu.memory_space<vmem>>
      %dma_start3A_1573 = tpu.memref_squeeze %dma_start3A_1572 : memref<1x1x128xi32, #tpu.memory_space<vmem>> -> memref<128xi32, #tpu.memory_space<vmem>>
      %dma_start3A_1574 = arith.constant 0 : i32
      %dma_start3A_1575 = arith.constant 0 : i32
      %dma_start3A_1576 = tpu.memref_slice %arg3[%dma_start3A_1574, %dma_start3A_1575] : memref<1001x128xf32, #tpu.memory_space<hbm>> -> memref<1001x128xf32, #tpu.memory_space<hbm>>
      tpu.enqueue_indirect_dma source(%dma_start3A_1576 : memref<1001x128xf32, #tpu.memory_space<hbm>>) target(%dma_start3A_1570 : memref<128x128xf32, #tpu.memory_space<vmem>>) offsets(%dma_start3A_1573 : memref<128xi32, #tpu.memory_space<vmem>>) semaphore(%arg8 : memref<!tpu.dma_semaphore, #tpu.memory_space<semaphore_mem>>)
      %dma_start3A_1577 = arith.constant 1 : i32
      %dma_start3A_1578 = arith.constant 1 : i32
      %dma_start3A_1579 = arith.constant 1 : i32
      %dma_start3A_1580 = arith.constant 0 : i32
      %dma_start3A_1581 = arith.constant 0 : i32
      %dma_start3A_1582 = tpu.memref_slice %arg6[%dma_start3A_1579, %dma_start3A_1580, %dma_start3A_1581] : memref<2x256x128xf32, #tpu.memory_space<vmem>> -> memref<1x256x128xf32, #tpu.memory_space<vmem>>
      %dma_start3A_1583 = tpu.memref_squeeze %dma_start3A_1582 : memref<1x256x128xf32, #tpu.memory_space<vmem>> -> memref<256x128xf32, #tpu.memory_space<vmem>>
      %dma_start3A_1584 = arith.constant 128 : i32
      %dma_start3A_1585 = arith.constant 0 : i32
      %dma_start3A_1586 = tpu.memref_slice %dma_start3A_1583[%dma_start3A_1584, %dma_start3A_1585] : memref<256x128xf32, #tpu.memory_space<vmem>> -> memref<128x128xf32, #tpu.memory_space<vmem>>
      %dma_start3A_1587 = arith.constant 0 : i32
      %dma_start3A_1588 = tpu.memref_slice %arg5[%dma_start3A_1577, %dma_start3A_1578, %dma_start3A_1587] : memref<2x2x128xi32, #tpu.memory_space<vmem>> -> memref<1x1x128xi32, #tpu.memory_space<vmem>>
      %dma_start3A_1589 = tpu.memref_squeeze %dma_start3A_1588 : memref<1x1x128xi32, #tpu.memory_space<vmem>> -> memref<128xi32, #tpu.memory_space<vmem>>
      %dma_start3A_1590 = arith.constant 0 : i32
      %dma_start3A_1591 = arith.constant 0 : i32
      %dma_start3A_1592 = tpu.memref_slice %arg3[%dma_start3A_1590, %dma_start3A_1591] : memref<1001x128xf32, #tpu.memory_space<hbm>> -> memref<1001x128xf32, #tpu.memory_space<hbm>>
      tpu.enqueue_indirect_dma source(%dma_start3A_1592 : memref<1001x128xf32, #tpu.memory_space<hbm>>) target(%dma_start3A_1586 : memref<128x128xf32, #tpu.memory_space<vmem>>) offsets(%dma_start3A_1589 : memref<128xi32, #tpu.memory_space<vmem>>) semaphore(%arg8 : memref<!tpu.dma_semaphore, #tpu.memory_space<semaphore_mem>>)
    }
    %scan3A_650 = arith.constant 49 : i32
    %dma_wait3A = arith.constant 0 : i32
    %dma_wait3A_651 = arith.constant 0 : i32
    %dma_wait3A_652 = arith.constant 0 : i32
    %dma_wait3A_653 = arith.constant 0 : i32
    %dma_wait3A_654 = arith.constant 0 : i32
    %dma_wait3A_655 = tpu.memref_slice %arg6[%dma_wait3A_652, %dma_wait3A_653, %dma_wait3A_654] : memref<2x256x128xf32, #tpu.memory_space<vmem>> -> memref<1x256x128xf32, #tpu.memory_space<vmem>>
    %dma_wait3A_656 = tpu.memref_squeeze %dma_wait3A_655 : memref<1x256x128xf32, #tpu.memory_space<vmem>> -> memref<256x128xf32, #tpu.memory_space<vmem>>
    %dma_wait3A_657 = arith.constant 0 : i32
    %dma_wait3A_658 = arith.constant 0 : i32
    %dma_wait3A_659 = tpu.memref_slice %dma_wait3A_656[%dma_wait3A_657, %dma_wait3A_658] : memref<256x128xf32, #tpu.memory_space<vmem>> -> memref<128x128xf32, #tpu.memory_space<vmem>>
    %dma_wait3A_660 = arith.constant 0 : i32
    %dma_wait3A_661 = tpu.memref_slice %arg5[%dma_wait3A, %dma_wait3A_651, %dma_wait3A_660] : memref<2x2x128xi32, #tpu.memory_space<vmem>> -> memref<1x1x128xi32, #tpu.memory_space<vmem>>
    %dma_wait3A_662 = tpu.memref_squeeze %dma_wait3A_661 : memref<1x1x128xi32, #tpu.memory_space<vmem>> -> memref<128xi32, #tpu.memory_space<vmem>>
    %dma_wait3A_663 = arith.constant 0 : i32
    %dma_wait3A_664 = arith.constant 0 : i32
    %dma_wait3A_665 = tpu.memref_slice %arg3[%dma_wait3A_663, %dma_wait3A_664] : memref<1001x128xf32, #tpu.memory_space<hbm>> -> memref<1001x128xf32, #tpu.memory_space<hbm>>
    tpu.wait_indirect_dma semaphore(%arg7 : memref<!tpu.dma_semaphore, #tpu.memory_space<semaphore_mem>>) src(%dma_wait3A_665 : memref<1001x128xf32, #tpu.memory_space<hbm>>) dst(%dma_wait3A_659 : memref<128x128xf32, #tpu.memory_space<vmem>>)
    %dma_wait3A_666 = arith.constant 0 : i32
    %dma_wait3A_667 = arith.constant 1 : i32
    %dma_wait3A_668 = arith.constant 0 : i32
    %dma_wait3A_669 = arith.constant 0 : i32
    %dma_wait3A_670 = arith.constant 0 : i32
    %dma_wait3A_671 = tpu.memref_slice %arg6[%dma_wait3A_668, %dma_wait3A_669, %dma_wait3A_670] : memref<2x256x128xf32, #tpu.memory_space<vmem>> -> memref<1x256x128xf32, #tpu.memory_space<vmem>>
    %dma_wait3A_672 = tpu.memref_squeeze %dma_wait3A_671 : memref<1x256x128xf32, #tpu.memory_space<vmem>> -> memref<256x128xf32, #tpu.memory_space<vmem>>
    %dma_wait3A_673 = arith.constant 128 : i32
    %dma_wait3A_674 = arith.constant 0 : i32
    %dma_wait3A_675 = tpu.memref_slice %dma_wait3A_672[%dma_wait3A_673, %dma_wait3A_674] : memref<256x128xf32, #tpu.memory_space<vmem>> -> memref<128x128xf32, #tpu.memory_space<vmem>>
    %dma_wait3A_676 = arith.constant 0 : i32
    %dma_wait3A_677 = tpu.memref_slice %arg5[%dma_wait3A_666, %dma_wait3A_667, %dma_wait3A_676] : memref<2x2x128xi32, #tpu.memory_space<vmem>> -> memref<1x1x128xi32, #tpu.memory_space<vmem>>
    %dma_wait3A_678 = tpu.memref_squeeze %dma_wait3A_677 : memref<1x1x128xi32, #tpu.memory_space<vmem>> -> memref<128xi32, #tpu.memory_space<vmem>>
    %dma_wait3A_679 = arith.constant 0 : i32
    %dma_wait3A_680 = arith.constant 0 : i32
    %dma_wait3A_681 = tpu.memref_slice %arg3[%dma_wait3A_679, %dma_wait3A_680] : memref<1001x128xf32, #tpu.memory_space<hbm>> -> memref<1001x128xf32, #tpu.memory_space<hbm>>
    tpu.wait_indirect_dma semaphore(%arg7 : memref<!tpu.dma_semaphore, #tpu.memory_space<semaphore_mem>>) src(%dma_wait3A_681 : memref<1001x128xf32, #tpu.memory_space<hbm>>) dst(%dma_wait3A_675 : memref<128x128xf32, #tpu.memory_space<vmem>>)
    %mul3A_682 = arith.constant 25600 : i32
    %mul3A_683 = arith.muli %add3A, %mul3A_682 : i32
    %add3A_684 = arith.constant 25088 : i32
    %add3A_685 = arith.addi %mul3A_683, %add3A_684 : i32
    %dma_start3A_686 = arith.constant 0 : i32
    %dma_start3A_687 = arith.constant 0 : i32
    %dma_start3A_688 = arith.constant 0 : i32
    %dma_start3A_689 = tpu.memref_slice %arg6[%dma_start3A_686, %dma_start3A_687, %dma_start3A_688] : memref<2x256x128xf32, #tpu.memory_space<vmem>> -> memref<1x256x128xf32, #tpu.memory_space<vmem>>
    %dma_start3A_690 = tpu.memref_squeeze %dma_start3A_689 : memref<1x256x128xf32, #tpu.memory_space<vmem>> -> memref<256x128xf32, #tpu.memory_space<vmem>>
    %dma_start3A_691 = arith.constant 0 : i32
    %dma_start3A_692 = tpu.memref_slice %arg4[%add3A_685, %dma_start3A_691] : memref<819200x128xf32, #tpu.memory_space<hbm>> -> memref<256x128xf32, #tpu.memory_space<hbm>>
    %dma_start3A_693 = arith.constant 0 : i32
    %dma_start3A_694 = tpu.memref_slice %arg4[%add3A_685, %dma_start3A_693] : memref<819200x128xf32, #tpu.memory_space<hbm>> -> memref<256x128xf32, #tpu.memory_space<hbm>>
    %dma_start3A_695 = arith.constant 0 : i32
    %dma_start3A_696 = arith.constant 0 : i32
    %dma_start3A_697 = tpu.memref_slice %arg6[%dma_start3A_686, %dma_start3A_695, %dma_start3A_696] : memref<2x256x128xf32, #tpu.memory_space<vmem>> -> memref<1x256x128xf32, #tpu.memory_space<vmem>>
    %dma_start3A_698 = tpu.memref_squeeze %dma_start3A_697 : memref<1x256x128xf32, #tpu.memory_space<vmem>> -> memref<256x128xf32, #tpu.memory_space<vmem>>
    tpu.enqueue_dma source(%dma_start3A_698 : memref<256x128xf32, #tpu.memory_space<vmem>>) target(%dma_start3A_694 : memref<256x128xf32, #tpu.memory_space<hbm>>) target_semaphore(%arg9 : memref<!tpu.dma_semaphore, #tpu.memory_space<semaphore_mem>>)
    %dma_wait3A_699 = arith.constant 1 : i32
    %dma_wait3A_700 = arith.constant 0 : i32
    %dma_wait3A_701 = arith.constant 1 : i32
    %dma_wait3A_702 = arith.constant 0 : i32
    %dma_wait3A_703 = arith.constant 0 : i32
    %dma_wait3A_704 = tpu.memref_slice %arg6[%dma_wait3A_701, %dma_wait3A_702, %dma_wait3A_703] : memref<2x256x128xf32, #tpu.memory_space<vmem>> -> memref<1x256x128xf32, #tpu.memory_space<vmem>>
    %dma_wait3A_705 = tpu.memref_squeeze %dma_wait3A_704 : memref<1x256x128xf32, #tpu.memory_space<vmem>> -> memref<256x128xf32, #tpu.memory_space<vmem>>
    %dma_wait3A_706 = arith.constant 0 : i32
    %dma_wait3A_707 = arith.constant 0 : i32
    %dma_wait3A_708 = tpu.memref_slice %dma_wait3A_705[%dma_wait3A_706, %dma_wait3A_707] : memref<256x128xf32, #tpu.memory_space<vmem>> -> memref<128x128xf32, #tpu.memory_space<vmem>>
    %dma_wait3A_709 = arith.constant 0 : i32
    %dma_wait3A_710 = tpu.memref_slice %arg5[%dma_wait3A_699, %dma_wait3A_700, %dma_wait3A_709] : memref<2x2x128xi32, #tpu.memory_space<vmem>> -> memref<1x1x128xi32, #tpu.memory_space<vmem>>
    %dma_wait3A_711 = tpu.memref_squeeze %dma_wait3A_710 : memref<1x1x128xi32, #tpu.memory_space<vmem>> -> memref<128xi32, #tpu.memory_space<vmem>>
    %dma_wait3A_712 = arith.constant 0 : i32
    %dma_wait3A_713 = arith.constant 0 : i32
    %dma_wait3A_714 = tpu.memref_slice %arg3[%dma_wait3A_712, %dma_wait3A_713] : memref<1001x128xf32, #tpu.memory_space<hbm>> -> memref<1001x128xf32, #tpu.memory_space<hbm>>
    tpu.wait_indirect_dma semaphore(%arg8 : memref<!tpu.dma_semaphore, #tpu.memory_space<semaphore_mem>>) src(%dma_wait3A_714 : memref<1001x128xf32, #tpu.memory_space<hbm>>) dst(%dma_wait3A_708 : memref<128x128xf32, #tpu.memory_space<vmem>>)
    %dma_wait3A_715 = arith.constant 1 : i32
    %dma_wait3A_716 = arith.constant 1 : i32
    %dma_wait3A_717 = arith.constant 1 : i32
    %dma_wait3A_718 = arith.constant 0 : i32
    %dma_wait3A_719 = arith.constant 0 : i32
    %dma_wait3A_720 = tpu.memref_slice %arg6[%dma_wait3A_717, %dma_wait3A_718, %dma_wait3A_719] : memref<2x256x128xf32, #tpu.memory_space<vmem>> -> memref<1x256x128xf32, #tpu.memory_space<vmem>>
    %dma_wait3A_721 = tpu.memref_squeeze %dma_wait3A_720 : memref<1x256x128xf32, #tpu.memory_space<vmem>> -> memref<256x128xf32, #tpu.memory_space<vmem>>
    %dma_wait3A_722 = arith.constant 128 : i32
    %dma_wait3A_723 = arith.constant 0 : i32
    %dma_wait3A_724 = tpu.memref_slice %dma_wait3A_721[%dma_wait3A_722, %dma_wait3A_723] : memref<256x128xf32, #tpu.memory_space<vmem>> -> memref<128x128xf32, #tpu.memory_space<vmem>>
    %dma_wait3A_725 = arith.constant 0 : i32
    %dma_wait3A_726 = tpu.memref_slice %arg5[%dma_wait3A_715, %dma_wait3A_716, %dma_wait3A_725] : memref<2x2x128xi32, #tpu.memory_space<vmem>> -> memref<1x1x128xi32, #tpu.memory_space<vmem>>
    %dma_wait3A_727 = tpu.memref_squeeze %dma_wait3A_726 : memref<1x1x128xi32, #tpu.memory_space<vmem>> -> memref<128xi32, #tpu.memory_space<vmem>>
    %dma_wait3A_728 = arith.constant 0 : i32
    %dma_wait3A_729 = arith.constant 0 : i32
    %dma_wait3A_730 = tpu.memref_slice %arg3[%dma_wait3A_728, %dma_wait3A_729] : memref<1001x128xf32, #tpu.memory_space<hbm>> -> memref<1001x128xf32, #tpu.memory_space<hbm>>
    tpu.wait_indirect_dma semaphore(%arg8 : memref<!tpu.dma_semaphore, #tpu.memory_space<semaphore_mem>>) src(%dma_wait3A_730 : memref<1001x128xf32, #tpu.memory_space<hbm>>) dst(%dma_wait3A_724 : memref<128x128xf32, #tpu.memory_space<vmem>>)
    %mul3A_731 = arith.constant 25600 : i32
    %mul3A_732 = arith.muli %add3A, %mul3A_731 : i32
    %add3A_733 = arith.constant 25344 : i32
    %add3A_734 = arith.addi %mul3A_732, %add3A_733 : i32
    %dma_start3A_735 = arith.constant 1 : i32
    %dma_start3A_736 = arith.constant 0 : i32
    %dma_start3A_737 = arith.constant 0 : i32
    %dma_start3A_738 = tpu.memref_slice %arg6[%dma_start3A_735, %dma_start3A_736, %dma_start3A_737] : memref<2x256x128xf32, #tpu.memory_space<vmem>> -> memref<1x256x128xf32, #tpu.memory_space<vmem>>
    %dma_start3A_739 = tpu.memref_squeeze %dma_start3A_738 : memref<1x256x128xf32, #tpu.memory_space<vmem>> -> memref<256x128xf32, #tpu.memory_space<vmem>>
    %dma_start3A_740 = arith.constant 0 : i32
    %dma_start3A_741 = tpu.memref_slice %arg4[%add3A_734, %dma_start3A_740] : memref<819200x128xf32, #tpu.memory_space<hbm>> -> memref<256x128xf32, #tpu.memory_space<hbm>>
    %dma_start3A_742 = arith.constant 0 : i32
    %dma_start3A_743 = tpu.memref_slice %arg4[%add3A_734, %dma_start3A_742] : memref<819200x128xf32, #tpu.memory_space<hbm>> -> memref<256x128xf32, #tpu.memory_space<hbm>>
    %dma_start3A_744 = arith.constant 0 : i32
    %dma_start3A_745 = arith.constant 0 : i32
    %dma_start3A_746 = tpu.memref_slice %arg6[%dma_start3A_735, %dma_start3A_744, %dma_start3A_745] : memref<2x256x128xf32, #tpu.memory_space<vmem>> -> memref<1x256x128xf32, #tpu.memory_space<vmem>>
    %dma_start3A_747 = tpu.memref_squeeze %dma_start3A_746 : memref<1x256x128xf32, #tpu.memory_space<vmem>> -> memref<256x128xf32, #tpu.memory_space<vmem>>
    tpu.enqueue_dma source(%dma_start3A_747 : memref<256x128xf32, #tpu.memory_space<vmem>>) target(%dma_start3A_743 : memref<256x128xf32, #tpu.memory_space<hbm>>) target_semaphore(%arg10 : memref<!tpu.dma_semaphore, #tpu.memory_space<semaphore_mem>>)
    %mul3A_748 = arith.constant 25600 : i32
    %mul3A_749 = arith.muli %add3A, %mul3A_748 : i32
    %add3A_750 = arith.constant 25088 : i32
    %add3A_751 = arith.addi %mul3A_749, %add3A_750 : i32
    %dma_wait3A_752 = arith.constant 0 : i32
    %dma_wait3A_753 = arith.constant 0 : i32
    %dma_wait3A_754 = arith.constant 0 : i32
    %dma_wait3A_755 = tpu.memref_slice %arg6[%dma_wait3A_752, %dma_wait3A_753, %dma_wait3A_754] : memref<2x256x128xf32, #tpu.memory_space<vmem>> -> memref<1x256x128xf32, #tpu.memory_space<vmem>>
    %dma_wait3A_756 = tpu.memref_squeeze %dma_wait3A_755 : memref<1x256x128xf32, #tpu.memory_space<vmem>> -> memref<256x128xf32, #tpu.memory_space<vmem>>
    %dma_wait3A_757 = arith.constant 0 : i32
    %dma_wait3A_758 = tpu.memref_slice %arg4[%add3A_751, %dma_wait3A_757] : memref<819200x128xf32, #tpu.memory_space<hbm>> -> memref<256x128xf32, #tpu.memory_space<hbm>>
    %dma_wait3A_759 = arith.constant 0 : i32
    %dma_wait3A_760 = tpu.memref_slice %arg4[%add3A_751, %dma_wait3A_759] : memref<819200x128xf32, #tpu.memory_space<hbm>> -> memref<256x128xf32, #tpu.memory_space<hbm>>
    %dma_wait3A_761 = arith.constant 0 : i32
    %dma_wait3A_762 = arith.constant 0 : i32
    %dma_wait3A_763 = tpu.memref_slice %arg6[%dma_wait3A_752, %dma_wait3A_761, %dma_wait3A_762] : memref<2x256x128xf32, #tpu.memory_space<vmem>> -> memref<1x256x128xf32, #tpu.memory_space<vmem>>
    %dma_wait3A_764 = tpu.memref_squeeze %dma_wait3A_763 : memref<1x256x128xf32, #tpu.memory_space<vmem>> -> memref<256x128xf32, #tpu.memory_space<vmem>>
    tpu.wait_dma2 semaphore(%arg9 : memref<!tpu.dma_semaphore, #tpu.memory_space<semaphore_mem>>) src(%dma_wait3A_764 : memref<256x128xf32, #tpu.memory_space<vmem>>) dst(%dma_wait3A_760 : memref<256x128xf32, #tpu.memory_space<hbm>>)
    %mul3A_765 = arith.constant 25600 : i32
    %mul3A_766 = arith.muli %add3A, %mul3A_765 : i32
    %add3A_767 = arith.constant 25344 : i32
    %add3A_768 = arith.addi %mul3A_766, %add3A_767 : i32
    %dma_wait3A_769 = arith.constant 1 : i32
    %dma_wait3A_770 = arith.constant 0 : i32
    %dma_wait3A_771 = arith.constant 0 : i32
    %dma_wait3A_772 = tpu.memref_slice %arg6[%dma_wait3A_769, %dma_wait3A_770, %dma_wait3A_771] : memref<2x256x128xf32, #tpu.memory_space<vmem>> -> memref<1x256x128xf32, #tpu.memory_space<vmem>>
    %dma_wait3A_773 = tpu.memref_squeeze %dma_wait3A_772 : memref<1x256x128xf32, #tpu.memory_space<vmem>> -> memref<256x128xf32, #tpu.memory_space<vmem>>
    %dma_wait3A_774 = arith.constant 0 : i32
    %dma_wait3A_775 = tpu.memref_slice %arg4[%add3A_768, %dma_wait3A_774] : memref<819200x128xf32, #tpu.memory_space<hbm>> -> memref<256x128xf32, #tpu.memory_space<hbm>>
    %dma_wait3A_776 = arith.constant 0 : i32
    %dma_wait3A_777 = tpu.memref_slice %arg4[%add3A_768, %dma_wait3A_776] : memref<819200x128xf32, #tpu.memory_space<hbm>> -> memref<256x128xf32, #tpu.memory_space<hbm>>
    %dma_wait3A_778 = arith.constant 0 : i32
    %dma_wait3A_779 = arith.constant 0 : i32
    %dma_wait3A_780 = tpu.memref_slice %arg6[%dma_wait3A_769, %dma_wait3A_778, %dma_wait3A_779] : memref<2x256x128xf32, #tpu.memory_space<vmem>> -> memref<1x256x128xf32, #tpu.memory_space<vmem>>
    %dma_wait3A_781 = tpu.memref_squeeze %dma_wait3A_780 : memref<1x256x128xf32, #tpu.memory_space<vmem>> -> memref<256x128xf32, #tpu.memory_space<vmem>>
    tpu.wait_dma2 semaphore(%arg10 : memref<!tpu.dma_semaphore, #tpu.memory_space<semaphore_mem>>) src(%dma_wait3A_781 : memref<256x128xf32, #tpu.memory_space<vmem>>) dst(%dma_wait3A_777 : memref<256x128xf32, #tpu.memory_space<hbm>>)
    return
  }
}

</mosaic_0001>

<sc_bundles>
// kernel: kernel.3.cloned.1.call-start
scs
__scs_entry_jumppad:
0x0: {  	(pc) =	sbr.rel $0x88, $3  }
0x1: {  	(tag) =	ssettag $0x0;
	lr =	simm.s32 $0x1  }
0x2: {  	[smem:$0x3F9F] =	sst lr;
	_ =	strace $0xD0000000  }
0x3: {  	_ = 	snop  }
0x4: {  	_ = 	snop  }
0x5: {  	_ = 	snop  }
0x6: {  	_ = 	snop  }
0x7: {  	_ = 	snop  }
__scs_overlays_trampoline_lowered:
0x8: {  	[smem:$0x3FAE] =	sst s0  }
0x9: {  	[smem:$0x3FAF] =	sst s1  }
0xa: {  	[smem:$0x3FB0] =	sst s2  }
0xb: {  	[smem:$0x3FB1] =	sst s3  }
0xc: {  	[smem:$0x3FB2] =	sst s4  }
0xd: {  	[smem:$0x3FB3] =	sst s5  }
0xe: {  	[smem:$0x3FB4] =	sst s6  }
0xf: {  	[smem:$0x3FB5] =	sst s7  }
0x10: {  	[smem:$0x3FB6] =	sst s8  }
0x11: {  	[smem:$0x3FB7] =	sst s9;
	s0 =	simm.s32 @!p0 $0x0  }
0x12: {  	s1 =	sld [smem:$0x3F9D];
	s0 =	simm.s32 @p0 $0x1  }
0x13: {  	[smem:$0x3FB8] =	sst s0;
	s0 =	simm.s32 @!p1 $0x0  }
0x14: {  	s2 =	sld [smem:$0x3F9C];
	s0 =	simm.s32 @p1 $0x1  }
0x15: {  	[smem:$0x3FB9] =	sst s0;
	s0 =	simm.s32 @!p2 $0x0  }
0x16: {  	s3 =	sld [smem:$0x3FDB];
	s0 =	simm.s32 @p2 $0x1  }
0x17: {  	s4 =	simm.s32 $0x1BF5;
	[smem:$0x3FBB] =	sst s0  }
0x18: {  	s0 =	sld [smem:$0x3F9E];
	_ =	swait.ge [sflag:s4], $0x0  }
0x19: {  	s7 =	sld [smem:$0x3F9F]  }
0x1a: {  	s8 =	sadd.s32 $0xFFFFE003, lr  }
0x1b: {  	s9 =	sadd.s32 $0xFFFFFEF7, lr;
	s5 =	simm.s32 $0xFFFFFFFF;
	p2 =	slt.u32 s8, $0xFFFFF086  }
0x1c: {  	p1 =	slt.u32 s9, $0xF7A;
	s5 =	simm.s32 @!p2 $0x0  }
0x1d: {  	s5 =	simm.s32 @p1 $0x1;
	p0 =	seq.s32 s7, s2  }
0x1e: {  	s7 =	smul.u32 @!p0 $0xF7A, s2;
	p2 =	seq.s32 @!p0 s5, $0x0  }
0x1f: {  	s9 =	smul.u32 $0xF7A, s1;
	s8 =	simm.s32 @!p0 $0x1BF5;
	p2 =	por !p2, p0  }
0x20: {  	[sflag:s8] =	ssyncset.s32 @!p0 $0xFFFFF086;
	s6 =	sadd.s32 @!p0 s3, s7;
	s7 =	simm.s32 @!p0 $0x108  }
0x21: {  	s3 =	sadd.s32 s3, s9;
	s6 =	sadd.s32 @!p0 $0x88, s6;
	s7 =	simm.s32 @p2 $0x1082  }
0x22: {  	[simem:s7], [sflag:s8] =	dma.local @!p0 [hbm:s6], $0xF7A  }
0x23: {  	s9 =	sor.u32 $0xD0000000, s2;
	s6 =	simm.s32 $0x108;
	_ =	swait.ge @!p0 [sflag:s8], $0x0  }
0x24: {  	s3 =	sadd.s32 $0x88, s3;
	s6 =	simm.s32 @!p1 $0x1082;
	[sflag:s4] =	ssyncset.s32 $0xFFFFF086  }
0x25: {  	[simem:s6], [sflag:s4] =	dma.local [hbm:s3], $0xF7A  }
0x26: {  	[smem:$0x3F9F] =	sst s1;
	(tag) =	ssettag s2;
	_ =	strace s9  }
0x27: {  	s1 =	sld [smem:$0x3FAF]  }
0x28: {  	s2 =	sld [smem:$0x3FB0]  }
0x29: {  	s4 =	sld [smem:$0x3FB2]  }
0x2a: {  	p0 =	seq.s32 s5, $0x0;
	s5 =	sld [smem:$0x3FB3]  }
0x2b: {  	s6 =	sld [smem:$0x3FB4]  }
0x2c: {  	s7 =	sld [smem:$0x3FB5]  }
0x2d: {  	s3 =	simm.s32 $0x108;
	s8 =	sld [smem:$0x3FB6]  }
0x2e: {  	s3 =	simm.s32 @!p0 $0x1082;
	s9 =	sld [smem:$0x3FB7]  }
0x2f: {  	lr =	sadd.s32 s0, s3;
	s0 =	sld [smem:$0x3FAE]  }
0x30: {  	s3 =	sld [smem:$0x3FB1]  }
0x31: {  	[smem:$0x3FBA] =	sst s10  }
0x32: {  	s10 =	sld [smem:$0x3FB8];
	_ =	sdelay $0x3  }
0x33: {  	p0 =	seq.s32 s10, $0x1;
	s10 =	sld [smem:$0x3FBA];
	_ =	sdelay $0x3  }
0x34: {  	[smem:$0x3FBA] =	sst s10  }
0x35: {  	s10 =	sld [smem:$0x3FB9];
	_ =	sdelay $0x3  }
0x36: {  	p1 =	seq.s32 s10, $0x1;
	s10 =	sld [smem:$0x3FBA];
	_ =	sdelay $0x3  }
0x37: {  	[smem:$0x3FBA] =	sst s10  }
0x38: {  	s10 =	sld [smem:$0x3FBB]  }
0x39: {  	_ = 	snop;
	(pc) =	sbr.ind lr, $3  }
0x3a: {  	_ = 	snop  }
0x3b: {  	_ = 	snop  }
0x3c: {  	p2 =	seq.s32 s10, $0x1;
	s10 =	sld [smem:$0x3FBA]  }
0x3d: {  	_ =	shalt  }
0x3e: {  	_ =	shalt  }
0x3f: {  	_ =	shalt  }
0x40: {  	_ =	shalt  }
0x41: {  	_ =	shalt  }
0x42: {  	_ =	shalt  }
0x43: {  	_ =	shalt  }
0x44: {  	_ =	shalt  }
0x45: {  	_ =	shalt  }
0x46: {  	_ =	shalt  }
0x47: {  	_ =	shalt  }
0x48: {  	_ =	shalt  }
0x49: {  	_ =	shalt  }
0x4a: {  	_ =	shalt  }
0x4b: {  	_ =	shalt  }
0x4c: {  	_ =	shalt  }
0x4d: {  	_ =	shalt  }
0x4e: {  	_ =	shalt  }
0x4f: {  	_ =	shalt  }
0x50: {  	_ =	shalt  }
0x51: {  	_ =	shalt  }
0x52: {  	_ =	shalt  }
0x53: {  	_ =	shalt  }
0x54: {  	_ =	shalt  }
0x55: {  	_ =	shalt  }
0x56: {  	_ =	shalt  }
0x57: {  	_ =	shalt  }
0x58: {  	_ =	shalt  }
0x59: {  	_ =	shalt  }
0x5a: {  	_ =	shalt  }
0x5b: {  	_ =	shalt  }
0x5c: {  	_ =	shalt  }
0x5d: {  	_ =	shalt  }
0x5e: {  	_ =	shalt  }
0x5f: {  	_ =	shalt  }
0x60: {  	_ =	shalt  }
0x61: {  	_ =	shalt  }
0x62: {  	_ =	shalt  }
0x63: {  	_ =	shalt  }
0x64: {  	_ =	shalt  }
0x65: {  	_ =	shalt  }
0x66: {  	_ =	shalt  }
0x67: {  	_ =	shalt  }
0x68: {  	_ =	shalt  }
0x69: {  	_ =	shalt  }
0x6a: {  	_ =	shalt  }
0x6b: {  	_ =	shalt  }
0x6c: {  	_ =	shalt  }
0x6d: {  	_ =	shalt  }
0x6e: {  	_ =	shalt  }
0x6f: {  	_ =	shalt  }
0x70: {  	_ =	shalt  }
0x71: {  	_ =	shalt  }
0x72: {  	_ =	shalt  }
0x73: {  	_ =	shalt  }
0x74: {  	_ =	shalt  }
0x75: {  	_ =	shalt  }
0x76: {  	_ =	shalt  }
0x77: {  	_ =	shalt  }
0x78: {  	_ =	shalt  }
0x79: {  	_ =	shalt  }
0x7a: {  	_ =	shalt  }
0x7b: {  	_ =	shalt  }
0x7c: {  	_ =	shalt  }
0x7d: {  	_ =	shalt  }
0x7e: {  	_ =	shalt  }
0x7f: {  	_ =	shalt  }
0x80: {  	_ =	shalt  }
0x81: {  	_ =	shalt  }
0x82: {  	_ =	shalt  }
0x83: {  	_ =	shalt  }
0x84: {  	_ =	shalt  }
0x85: {  	_ =	shalt  }
0x86: {  	_ =	shalt  }
0x87: {  	_ =	shalt  }
.Lfunc_end0:
.L_simem_size_0:
called_computation_lowered:
.L_overlay_start_0:
0x88: {  	s2 =	sld [smem:$0x3FD9]  }
0x89: {  	s3 =	sld [smem:$0x3FFE];
	_ =	sdelay $0x1  }
0x8a: {  	s1 =	srdreg.scid  }
0x8b: {  	s0 =	sand.u32 $0x1, s1  }
0x8c: {  	s17 =	sshll.u32 s0, $0xA;
	s2 =	sadd.s32 s3, s2  }
0x8d: {  	s2 =	sadd.s32 s2, s17  }
0x8e: {  	[smem:$0x3FC6] =	sst s2  }
0x8f: {  	_ = 	snop  }
0x90: {  	s2 =	sld [smem:$0x3FC8]  }
0x91: {  	s18 =	sld [smem:$0x3FD0];
	(tm) =	ssettm $0x1  }
0x92: {  	s4 =	sld [smem:$0x3FFB];
	_ =	sdelay $0x3  }
0x93: {  	_ =	strace s4  }
0x94: {  	s4 =	sld [smem:$0x3FFC];
	_ =	sdelay $0x3  }
0x95: {  	_ =	strace s4  }
0x96: {  	s4 =	sld [smem:$0x3FFD];
	_ =	sdelay $0x3  }
0x97: {  	_ =	strace s4  }
0x98: {  	_ =	strace $0x8FFFFFFF  }
0x99: {  	s19 =	sld [smem:$0x3FDB];
	_ =	sdelay $0x1  }
0x9a: {  	s5 =	simm.s32 $_scs_section_size  }
0x9b: {  	s6 =	simm.s32 $_size__tile_overlayer_lowered;
	s7 =	simm.s32 $_tile_overlayer_lowered  }
0x9c: {  	s22 =	simm.s32 $0x1BFF;
	s21 =	sshll.u32 s7, $0x1;
	s4 =	sadd.s32 s5, s19  }
0x9d: {  	s8 =	simm.s32 $0x0;
	s20 =	sshll.u32 s6, $0x1;
	s6 =	sadd.s32 s21, s4  }
0x9e: {  	[timem:s8], [sflag:s22] =	dma.local [hbm:s6], s20  }
0x9f: {  	_ =	swait.ge [sflag:s22], s20  }
0xa0: {  	s5 =	ssub.s32 $0x0, s20;
	[sflag:s22] =	ssyncset.done $0x0  }
0xa1: {  	[sflag:s22] =	ssyncadd.s32 s5;
	_ =	sdelay $0x1  }
0xa2: {  	s23 =	simm.s32 $0x1B8B  }
0xa3: {  	_ =	swait.ge [sflag:s23], $0x1  }
0xa4: {  	[sflag:s23] =	ssyncset.done $0x0  }
0xa5: {  	s25 =	simm.s32 $0x1B8E;
	s24 =	sld [smem:$0x3FFE];
	[sflag:s23] =	ssyncadd.s32 $0xFFFFFFFF  }
0xa6: {  	s26 =	simm.s32 $execute0_lowered;
	[smem:$0x3FD2] =	sst s25  }
0xa7: {  	s6 =	sshll.u32 s26, $0x1;
	_ =	strace $0x80000046;
	[dreg:$0x1] =	wrdreg $0xFFFFFFFF  }
0xa8: {  	s28 =	simm.s32 $_size_execute0_lowered;
	s4 =	sadd.s32 s4, s6;
	[dreg:$0x0] =	wrdreg $0x0  }
0xa9: {  	s6 =	sshll.u32 s28, $0x1;
	[dreg:$0x2] =	wrdreg s4  }
0xaa: {  	[dreg:$0x3] =	wrdreg s6  }
0xab: {  	[dreg:$0x4] =	wrdreg $0xC0  }
0xac: {  	_ =	task [dreg:s8], $0x5FFFF  }
0xad: {  	[dreg:$0x1] =	wrdreg $0xFFFFFFFF  }
0xae: {  	[dreg:$0x0] =	wrdreg $0x60  }
0xaf: {  	[dreg:$0x2] =	wrdreg s24  }
0xb0: {  	[dreg:$0x3] =	wrdreg s2  }
0xb1: {  	[dreg:$0x4] =	wrdreg s18  }
0xb2: {  	[dreg:$0x5] =	wrdreg $0x9  }
0xb3: {  	_ =	task.clear_ibuf [dreg:s8], $0x6FFFF;
	_ =	strace $0x90000046  }
0xb4: {  	s29 =	simm.s32 $0x9;
	_ =	strace $0x80000048  }
0xb5: {  	_ =	swait.ge [sflag:s29], $0x1  }
0xb6: {  	[sflag:s29] =	ssyncadd.s32 $0xFFFFFFFF  }
0xb7: {  	_ =	strace $0x90000048  }
0xb8: {  	_ =	sfence  }
0xb9: {  	s30 =	sld [smem:$0x0];
	_ =	sdelay $0x2  }
0xba: {  	s31 =	sshll.u32 s1, $0xD;
	s1 =	sshrl.u32 s1, $0x2  }
0xbb: {  	s3 =	sand.u32 $0x4000, s31;
	s1 =	sadd.s32 s1, s30  }
0xbc: {  	s0 =	sor.u32 s3, s0;
	s1 =	sshll.u32 s1, $0x11  }
0xbd: {  	s0 =	sor.u32 s1, s0  }
0xbe: {  	s0 =	sadd.s32 $0x8F2B, s0  }
0xbf: {  	[sflag:s0] =	ssyncadd.remote.s32 $0x1  }
0xc0: {  	_ =	sfence.sel $0xFFFF  }
0xc1: {  	[dreg:$0x0] =	wrdreg $0xFFFFFFFF;
	(pc) =	sbr.abs _section_cstart, $3  }
0xc2: {  	[dreg:$0x1] =	wrdreg $0xFFFFFFFF  }
0xc3: {  	_ =	task.clear_ibuf [dreg:s8], $0x2FFFF;
	_ =	strace $0x9FFFFFFF  }
0xc4: {  	(tm) =	ssettm $0x7FFFFFFF  }
0xc5: {  	_ =	shalt  }
tec
execute0_lowered:
.L_overlay_start_1:
0x0: {  	(tag) =	ssettag $0x1  }
0x1: {  	s4 =	rddreg [dreg:$0x0]  }
0x2: {  	s1 =	srdreg.scid;
	s2 =	rddreg [dreg:$0x1]  }
0x3: {  	s0 =	stileid.u32;
	s11 =	rddreg [dreg:$0x2];
	s3 =	simm.s32 $0x0  }
0x4: {  	s18 =	simm.s32 $0x180;
	s19 =	simm.s32 $0xC200;
	s10 =	smul.u32 $0xC8000, s0  }
0x5: {  	s20 =	simm.s32 $0x1;
	s21 =	simm.s32 $0x2;
	s14 =	smul.u32 $0x640000, s0  }
0x6: {  	s22 =	simm.s32 $0x3;
	s9 =	sand.u32 $0x1, s1;
	s16 =	smul.u32 $0x1900, s0  }
0x7: {  	s23 =	simm.s32 $0x4;
	s24 =	simm.s32 $0x0;
	s12 =	smul.u32 $0x64000, s9  }
0x8: {  	s26 =	sshll.u32 s0, $0x1;
	[smem:$0x7FF] =	sst s3;
	s15 =	smul.u32 $0x320000, s9  }
0x9: {  	s4 =	sadd.s32 $0x400, s4;
	s5 =	sor.u32 s9, s26;
	s17 =	smul.u32 $0xC80, s9  }
0xa: {  	_ =	strace $0x80000047;
	s7 =	ssub.s32 $0x2, s9;
	s6 =	smul.u32 $0xC80, s5  }
0xb: {  	s5 =	smul.u32 $0x320000, s5;
	s8 =	sshrl.u32 s7, $0x1;
	s10 =	sadd.s32 s10, s11  }
0xc: {  	s13 =	ssub.s32 s7, s8;
	s10 =	sadd.s32 s12, s10;
	s30 =	sadd.s32 s15, s14  }
0xd: {  	s31 =	sadd.s32 s17, s16;
	s14 =	simm.s32 $0x200;
	s15 =	simm.s32 $0x4200  }
0xe: {  	s16 =	simm.s32 $0x100;
	s17 =	simm.s32 $0x8200;
	s28 =	sshrl.u32 s5, $0x3  }
0xf: {  	s5 =	sadd.s32 s4, s6;
	s9 =	smax.u32 s13, $0x1;
	s10 =	sadd.s32 $0x1000, s10  }
0x10: {  	s12 =	sshrl.u32 s30, $0x3;
	[dreg:$0x4] =	wrdreg s31;
	s13 =	simm.s32 $0x80  }
0x11: {  	s29 =	sadd.s32 s11, s28;
	s6 =	sadd.s32 $0x20, s5;
	s11 =	sadd.s32 s12, s11  }
0x12: {  	s12 =	simm.s32 $0x5;
	s7 =	sadd.s32 $0x62000, s29;
	s8 =	sadd.s32 $0x63000, s29  }
.LBB2_1:
0x13: {  	[tilespmem:s3], [sflag:$0x5] =	stream.linear.gather [hbm4b:s5+s3], $0x100, $0x38;
	[tilespmem:$0x10200] =	vst v63  }
0x14: {  	_ =	swait.ge [sflag:s12], $0x100  }
0x15: {  	[sflag:s12] =	ssyncset.done $0x0  }
0x16: {  	[sflag:s12] =	ssyncadd.s32 $0xFFFFFF00  }
0x17: {  	v0 =	vld [tilespmem:$0x0]  }
0x18: {  	v1 =	vld [tilespmem:$0x10]  }
0x19: {  	v2 =	vld [tilespmem:$0x20]  }
0x1a: {  	v3 =	vld [tilespmem:$0x30]  }
0x1b: {  	v4 =	vld [tilespmem:$0x40]  }
0x1c: {  	v5 =	vld [tilespmem:$0x50];
	v0 =	vadd.s32 $0x1, v0  }
0x1d: {  	[tilespmem:$0x0] =	vst v0;
	v0 =	vadd.s32 $0x1, v1;
	v1 =	vld [tilespmem:$0x60]  }
0x1e: {  	[tilespmem:$0x10] =	vst v0;
	v0 =	vadd.s32 $0x1, v2;
	v2 =	vld [tilespmem:$0x70]  }
0x1f: {  	[tilespmem:$0x20] =	vst v0;
	v0 =	vadd.s32 $0x1, v3;
	v3 =	vld [tilespmem:$0x80]  }
0x20: {  	[tilespmem:$0x30] =	vst v0;
	v0 =	vadd.s32 $0x1, v4;
	v4 =	vld [tilespmem:$0x90]  }
0x21: {  	[tilespmem:$0x40] =	vst v0;
	v0 =	vadd.s32 $0x1, v5;
	v5 =	vld [tilespmem:$0xA0]  }
0x22: {  	[tilespmem:$0x50] =	vst v0;
	v0 =	vadd.s32 $0x1, v1;
	v1 =	vld [tilespmem:$0xB0]  }
0x23: {  	[tilespmem:$0x60] =	vst v0;
	v0 =	vadd.s32 $0x1, v2;
	v2 =	vld [tilespmem:$0xC0]  }
0x24: {  	[tilespmem:$0x70] =	vst v0;
	v0 =	vadd.s32 $0x1, v3;
	v3 =	vld [tilespmem:$0xD0]  }
0x25: {  	[tilespmem:$0x80] =	vst v0;
	v0 =	vadd.s32 $0x1, v4;
	v4 =	vld [tilespmem:$0xE0]  }
0x26: {  	[tilespmem:$0x90] =	vst v0;
	v0 =	vadd.s32 $0x1, v5;
	v5 =	vld [tilespmem:$0xF0]  }
0x27: {  	[tilespmem:$0xA0] =	vst v0;
	v0 =	vadd.s32 $0x1, v1  }
0x28: {  	[tilespmem:$0xB0] =	vst v0;
	v0 =	vadd.s32 $0x1, v2  }
0x29: {  	[tilespmem:$0xC0] =	vst v0;
	v0 =	vadd.s32 $0x1, v3  }
0x2a: {  	[tilespmem:$0xD0] =	vst v0;
	v0 =	vadd.s32 $0x1, v4  }
0x2b: {  	[tilespmem:$0xE0] =	vst v0;
	v0 =	vadd.s32 $0x1, v5  }
0x2c: {  	[tilespmem:$0xF0] =	vst v0  }
0x2d: {  	[tilespmem:s14], [sflag:$0x1] =	stream.indirect.gather [hbm4b:s2+s13], $0x80, s3, s13, $0xb8;
	[tilespmem:$0x10200] =	vst v63  }
0x2e: {  	_ = 	snop  }
0x2f: {  	[tilespmem:s15], [sflag:$0x1] =	stream.indirect.gather [hbm4b:s2+s13], $0x80, s13, s13, $0xb8;
	[tilespmem:$0x10200] =	vst v63  }
0x30: {  	_ = 	snop  }
0x31: {  	[tilespmem:s16], [sflag:$0x5] =	stream.linear.gather [hbm4b:s6+s3], $0x100, $0x38;
	[tilespmem:$0x10200] =	vst v63  }
0x32: {  	_ =	swait.ge [sflag:s12], $0x100  }
0x33: {  	[sflag:s12] =	ssyncset.done $0x0  }
0x34: {  	[sflag:s12] =	ssyncadd.s32 $0xFFFFFF00  }
0x35: {  	v0 =	vld [tilespmem:$0x100]  }
0x36: {  	v1 =	vld [tilespmem:$0x110]  }
0x37: {  	v2 =	vld [tilespmem:$0x120]  }
0x38: {  	v3 =	vld [tilespmem:$0x130]  }
0x39: {  	v4 =	vld [tilespmem:$0x140]  }
0x3a: {  	v5 =	vld [tilespmem:$0x150];
	v0 =	vadd.s32 $0x1, v0  }
0x3b: {  	[tilespmem:$0x100] =	vst v0;
	v0 =	vadd.s32 $0x1, v1;
	v1 =	vld [tilespmem:$0x160]  }
0x3c: {  	[tilespmem:$0x110] =	vst v0;
	v0 =	vadd.s32 $0x1, v2;
	v2 =	vld [tilespmem:$0x170]  }
0x3d: {  	[tilespmem:$0x120] =	vst v0;
	v0 =	vadd.s32 $0x1, v3;
	v3 =	vld [tilespmem:$0x180]  }
0x3e: {  	[tilespmem:$0x130] =	vst v0;
	v0 =	vadd.s32 $0x1, v4;
	v4 =	vld [tilespmem:$0x190]  }
0x3f: {  	[tilespmem:$0x140] =	vst v0;
	v0 =	vadd.s32 $0x1, v5;
	v5 =	vld [tilespmem:$0x1A0]  }
0x40: {  	[tilespmem:$0x150] =	vst v0;
	v0 =	vadd.s32 $0x1, v1;
	v1 =	vld [tilespmem:$0x1B0]  }
0x41: {  	[tilespmem:$0x160] =	vst v0;
	v0 =	vadd.s32 $0x1, v2;
	v2 =	vld [tilespmem:$0x1C0]  }
0x42: {  	[tilespmem:$0x170] =	vst v0;
	v0 =	vadd.s32 $0x1, v3;
	v3 =	vld [tilespmem:$0x1D0]  }
0x43: {  	[tilespmem:$0x180] =	vst v0;
	v0 =	vadd.s32 $0x1, v4;
	v4 =	vld [tilespmem:$0x1E0]  }
0x44: {  	[tilespmem:$0x190] =	vst v0;
	v0 =	vadd.s32 $0x1, v5;
	v5 =	vld [tilespmem:$0x1F0]  }
0x45: {  	[tilespmem:$0x1A0] =	vst v0;
	v0 =	vadd.s32 $0x1, v1  }
0x46: {  	[tilespmem:$0x1B0] =	vst v0;
	v0 =	vadd.s32 $0x1, v2  }
0x47: {  	[tilespmem:$0x1C0] =	vst v0;
	v0 =	vadd.s32 $0x1, v3  }
0x48: {  	[tilespmem:$0x1D0] =	vst v0;
	v0 =	vadd.s32 $0x1, v4  }
0x49: {  	[tilespmem:$0x1E0] =	vst v0;
	v0 =	vadd.s32 $0x1, v5  }
0x4a: {  	[tilespmem:$0x1F0] =	vst v0  }
0x4b: {  	[tilespmem:s17], [sflag:$0x2] =	stream.indirect.gather [hbm4b:s2+s13], $0x80, s16, s13, $0xb8;
	[tilespmem:$0x10200] =	vst v63  }
0x4c: {  	_ = 	snop  }
0x4d: {  	[tilespmem:s19], [sflag:$0x2] =	stream.indirect.gather [hbm4b:s2+s13], $0x80, s18, s13, $0xb8;
	[tilespmem:$0x10200] =	vst v63  }
0x4e: {  	_ =	swait.ge [sflag:s20], $0x4000  }
0x4f: {  	[sflag:s20] =	ssyncset.done $0x0  }
0x50: {  	[sflag:s20] =	ssyncadd.s32 $0xFFFFC000  }
0x51: {  	_ =	swait.ge [sflag:s20], $0x4000  }
0x52: {  	[sflag:s20] =	ssyncset.done $0x0  }
0x53: {  	[sflag:s20] =	ssyncadd.s32 $0xFFFFC000  }
0x54: {  	[hbm4b:s11+s3] =	stream.linear.scatter [tilespmem:s14], [sflag:$0x3], $0x8000, $0x38;
	[tilespmem:$0x10200] =	vst v63  }
0x55: {  	_ =	swait.ge [sflag:s21], $0x4000  }
0x56: {  	[sflag:s21] =	ssyncset.done $0x0  }
0x57: {  	[sflag:s21] =	ssyncadd.s32 $0xFFFFC000  }
0x58: {  	_ =	swait.ge [sflag:s21], $0x4000  }
0x59: {  	[sflag:s21] =	ssyncset.done $0x0  }
0x5a: {  	[sflag:s21] =	ssyncadd.s32 $0xFFFFC000  }
0x5b: {  	[hbm4b:s10+s3] =	stream.linear.scatter [tilespmem:s17], [sflag:$0x4], $0x8000, $0x38;
	[tilespmem:$0x10200] =	vst v63  }
0x5c: {  	_ =	swait.ge [sflag:s22], $0x8000  }
0x5d: {  	s25 =	rddreg [dreg:$0x4]  }
0x5e: {  	s31 =	simm.s32 $0x40;
	s28 =	sadd.s32 $0x60, s25  }
0x5f: {  	s25 =	sand.u32 $0x40, s31;
	s26 =	sadd.s32 $0xFFFFFFE0, s28  }
0x60: {  	[sflag:s22] =	ssyncset.done $0x0;
	s25 =	sadd.s32 s4, s25;
	s26 =	sand.u32 $0xFFFFF80, s26  }
0x61: {  	[sflag:s22] =	ssyncadd.s32 $0xFFFF8000;
	s25 =	sadd.s32 s26, s25  }
0x62: {  	[tilespmem:s3], [sflag:$0x5] =	stream.linear.gather [hbm4b:s25+s3], $0x100, $0x38;
	[tilespmem:$0x10200] =	vst v63  }
0x63: {  	_ =	swait.ge [sflag:s12], $0x100  }
0x64: {  	[sflag:s12] =	ssyncset.done $0x0  }
0x65: {  	[sflag:s12] =	ssyncadd.s32 $0xFFFFFF00  }
0x66: {  	v0 =	vld [tilespmem:$0xD0]  }
0x67: {  	v2 =	vld [tilespmem:$0xC0]  }
0x68: {  	v6 =	vld [tilespmem:$0x70]  }
0x69: {  	v1 =	vld [tilespmem:$0xB0]  }
0x6a: {  	v4 =	vld [tilespmem:$0xF0]  }
0x6b: {  	s29 =	smov.u32 s11;
	s30 =	sand.u32 $0xFFFFF80, s28;
	v5 =	vld [tilespmem:$0x60]  }
0x6c: {  	s28 =	smov.u32 s10;
	s26 =	simm.s32 $0xA0;
	s25 =	simm.s32 $0x60;
	v3 =	vld [tilespmem:$0x40]  }
.LBB2_2:
0x6d: {  	_ = 	snop  }
0x6e: {  	v6 =	vadd.s32 $0x1, v6  }
0x6f: {  	v4 =	vadd.s32 $0x1, v4;
	[tilespmem:$0x70] =	vst v6  }
0x70: {  	v7 =	vld [tilespmem:$0x50];
	v5 =	vadd.s32 $0x1, v5;
	[tilespmem:$0xF0] =	vst v4  }
0x71: {  	v8 =	vld [tilespmem:$0xE0];
	v3 =	vadd.s32 $0x1, v3;
	[tilespmem:$0x60] =	vst v5  }
0x72: {  	v9 =	vld [tilespmem:$0x90];
	v2 =	vadd.s32 $0x1, v2;
	[tilespmem:$0x40] =	vst v3  }
0x73: {  	v1 =	vadd.s32 $0x1, v1;
	v4 =	vld [tilespmem:$0x30];
	[tilespmem:$0xC0] =	vst v2  }
0x74: {  	v0 =	vadd.s32 $0x1, v0;
	v6 =	vld [tilespmem:$0xA0];
	[tilespmem:$0xB0] =	vst v1  }
0x75: {  	v3 =	vadd.s32 $0x1, v7;
	v5 =	vld [tilespmem:$0x80];
	[tilespmem:$0xD0] =	vst v0  }
0x76: {  	v7 =	vld [tilespmem:$0x0];
	[tilespmem:$0x50] =	vst v3;
	v3 =	vadd.s32 $0x1, v8  }
0x77: {  	v2 =	vld [tilespmem:$0x10];
	v8 =	vadd.s32 $0x1, v9;
	[tilespmem:$0xE0] =	vst v3  }
0x78: {  	v1 =	vld [tilespmem:$0x20];
	[tilespmem:$0x90] =	vst v8;
	v4 =	vadd.s32 $0x1, v4  }
0x79: {  	v6 =	vadd.s32 $0x1, v6;
	[tilespmem:$0x30] =	vst v4  }
0x7a: {  	v0 =	vadd.s32 $0x1, v5;
	[tilespmem:$0xA0] =	vst v6  }
0x7b: {  	v3 =	vadd.s32 $0x1, v7;
	[tilespmem:$0x80] =	vst v0  }
0x7c: {  	v2 =	vadd.s32 $0x1, v2;
	[tilespmem:$0x0] =	vst v3  }
0x7d: {  	v0 =	vadd.s32 $0x1, v1;
	[tilespmem:$0x10] =	vst v2  }
0x7e: {  	[tilespmem:$0x20] =	vst v0  }
0x7f: {  	[tilespmem:s14], [sflag:$0x1] =	stream.indirect.gather [hbm4b:s2+s13], $0x80, s3, s13, $0xb8;
	[tilespmem:$0x10200] =	vst v63  }
0x80: {  	_ = 	snop  }
0x81: {  	[tilespmem:s15], [sflag:$0x1] =	stream.indirect.gather [hbm4b:s2+s13], $0x80, s13, s13, $0xb8;
	[tilespmem:$0x10200] =	vst v63  }
0x82: {  	s1 =	sand.u32 $0x60, s25;
	_ =	swait.ge [sflag:s23], $0x8000  }
0x83: {  	s1 =	sadd.s32 s4, s1;
	[sflag:s23] =	ssyncset.done $0x0  }
0x84: {  	s1 =	sadd.s32 s30, s1;
	[sflag:s23] =	ssyncadd.s32 $0xFFFF8000  }
0x85: {  	[tilespmem:s16], [sflag:$0x5] =	stream.linear.gather [hbm4b:s1+s3], $0x100, $0x38;
	[tilespmem:$0x10200] =	vst v63  }
0x86: {  	_ =	swait.ge [sflag:s12], $0x100  }
0x87: {  	[sflag:s12] =	ssyncset.done $0x0  }
0x88: {  	[sflag:s12] =	ssyncadd.s32 $0xFFFFFF00  }
0x89: {  	v0 =	vld [tilespmem:$0x100]  }
0x8a: {  	v1 =	vld [tilespmem:$0x110]  }
0x8b: {  	v2 =	vld [tilespmem:$0x120]  }
0x8c: {  	v3 =	vld [tilespmem:$0x130]  }
0x8d: {  	v4 =	vld [tilespmem:$0x140]  }
0x8e: {  	v5 =	vld [tilespmem:$0x160];
	v0 =	vadd.s32 $0x1, v0  }
0x8f: {  	[tilespmem:$0x100] =	vst v0;
	v0 =	vadd.s32 $0x1, v1;
	v1 =	vld [tilespmem:$0x170]  }
0x90: {  	[tilespmem:$0x110] =	vst v0;
	v0 =	vadd.s32 $0x1, v2;
	v2 =	vld [tilespmem:$0x180]  }
0x91: {  	[tilespmem:$0x120] =	vst v0;
	v0 =	vadd.s32 $0x1, v3;
	v3 =	vld [tilespmem:$0x190]  }
0x92: {  	[tilespmem:$0x130] =	vst v0;
	v0 =	vadd.s32 $0x1, v4;
	v4 =	vld [tilespmem:$0x1A0]  }
0x93: {  	[tilespmem:$0x140] =	vst v0;
	v0 =	vadd.s32 $0x1, v5;
	v5 =	vld [tilespmem:$0x1B0]  }
0x94: {  	[tilespmem:$0x160] =	vst v0;
	v0 =	vadd.s32 $0x1, v1;
	v1 =	vld [tilespmem:$0x1C0]  }
0x95: {  	[tilespmem:$0x170] =	vst v0;
	v0 =	vadd.s32 $0x1, v2;
	v2 =	vld [tilespmem:$0x1D0]  }
0x96: {  	[tilespmem:$0x180] =	vst v0;
	v0 =	vadd.s32 $0x1, v3;
	v3 =	vld [tilespmem:$0x1E0]  }
0x97: {  	[tilespmem:$0x190] =	vst v0;
	v0 =	vadd.s32 $0x1, v4;
	v4 =	vld [tilespmem:$0x1F0]  }
0x98: {  	[tilespmem:$0x1A0] =	vst v0;
	v0 =	vadd.s32 $0x1, v5;
	v5 =	vld [tilespmem:$0x150]  }
0x99: {  	[tilespmem:$0x1B0] =	vst v0;
	v0 =	vadd.s32 $0x1, v1  }
0x9a: {  	[tilespmem:$0x1C0] =	vst v0;
	v0 =	vadd.s32 $0x1, v2  }
0x9b: {  	[tilespmem:$0x1D0] =	vst v0;
	v0 =	vadd.s32 $0x1, v3  }
0x9c: {  	[tilespmem:$0x1E0] =	vst v0;
	v0 =	vadd.s32 $0x1, v4  }
0x9d: {  	[tilespmem:$0x1F0] =	vst v0;
	v0 =	vadd.s32 $0x1, v5  }
0x9e: {  	[tilespmem:$0x150] =	vst v0  }
0x9f: {  	[tilespmem:s17], [sflag:$0x2] =	stream.indirect.gather [hbm4b:s2+s13], $0x80, s16, s13, $0xb8;
	[tilespmem:$0x10200] =	vst v63  }
0xa0: {  	_ = 	snop  }
0xa1: {  	[tilespmem:s19], [sflag:$0x2] =	stream.indirect.gather [hbm4b:s2+s13], $0x80, s18, s13, $0xb8;
	[tilespmem:$0x10200] =	vst v63  }
0xa2: {  	_ =	swait.ge [sflag:s20], $0x4000  }
0xa3: {  	[sflag:s20] =	ssyncset.done $0x0  }
0xa4: {  	[sflag:s20] =	ssyncadd.s32 $0xFFFFC000  }
0xa5: {  	_ =	swait.ge [sflag:s20], $0x4000  }
0xa6: {  	[sflag:s20] =	ssyncset.done $0x0  }
0xa7: {  	s29 =	sadd.s32 $0x2000, s29;
	[sflag:s20] =	ssyncadd.s32 $0xFFFFC000  }
0xa8: {  	[hbm4b:s29+s3] =	stream.linear.scatter [tilespmem:s14], [sflag:$0x3], $0x8000, $0x38;
	[tilespmem:$0x10200] =	vst v63  }
0xa9: {  	_ =	swait.ge [sflag:s21], $0x4000  }
0xaa: {  	[sflag:s21] =	ssyncset.done $0x0  }
0xab: {  	[sflag:s21] =	ssyncadd.s32 $0xFFFFC000  }
0xac: {  	_ =	swait.ge [sflag:s21], $0x4000  }
0xad: {  	[sflag:s21] =	ssyncset.done $0x0  }
0xae: {  	s28 =	sadd.s32 $0x2000, s28;
	[sflag:s21] =	ssyncadd.s32 $0xFFFFC000  }
0xaf: {  	[hbm4b:s28+s3] =	stream.linear.scatter [tilespmem:s17], [sflag:$0x4], $0x8000, $0x38;
	[tilespmem:$0x10200] =	vst v63  }
0xb0: {  	s31 =	smov.u32 s26;
	_ =	swait.ge [sflag:s22], $0x8000  }
0xb1: {  	s25 =	smov.u32 s31;
	s0 =	rddreg [dreg:$0x4]  }
0xb2: {  	s30 =	sadd.s32 $0xFFFFFFE0, s25;
	s1 =	sadd.s32 s25, s0  }
0xb3: {  	s0 =	sand.u32 $0x40, s30;
	s31 =	sadd.s32 $0xFFFFFFE0, s1  }
0xb4: {  	[sflag:s22] =	ssyncset.done $0x0;
	s0 =	sadd.s32 s4, s0;
	s31 =	sand.u32 $0xFFFFF80, s31  }
0xb5: {  	[sflag:s22] =	ssyncadd.s32 $0xFFFF8000;
	s0 =	sadd.s32 s31, s0  }
0xb6: {  	[tilespmem:s3], [sflag:$0x5] =	stream.linear.gather [hbm4b:s0+s3], $0x100, $0x38;
	[tilespmem:$0x10200] =	vst v63  }
0xb7: {  	_ =	swait.ge [sflag:s12], $0x100  }
0xb8: {  	[sflag:s12] =	ssyncset.done $0x0  }
0xb9: {  	[sflag:s12] =	ssyncadd.s32 $0xFFFFFF00  }
0xba: {  	v0 =	vld [tilespmem:$0xD0]  }
0xbb: {  	p0 =	sne.s32 s26, $0xC60;
	v2 =	vld [tilespmem:$0xC0]  }
.Ltmp0:
0xbc: {  	v6 =	vld [tilespmem:$0x70];
	(pc) =	sbr.rel @p0 .LBB2_2-.Ltmp0, $4  }
0xbd: {  	v1 =	vld [tilespmem:$0xB0]  }
0xbe: {  	v4 =	vld [tilespmem:$0xF0]  }
0xbf: {  	v5 =	vld [tilespmem:$0x60]  }
0xc0: {  	s26 =	sadd.s32 $0x40, s26;
	s30 =	sand.u32 $0xFFFFF80, s1;
	v3 =	vld [tilespmem:$0x40]  }
0xc1: {  	v6 =	vadd.s32 $0x1, v6  }
0xc2: {  	v2 =	vadd.s32 $0x1, v2;
	[tilespmem:$0x70] =	vst v6  }
0xc3: {  	v7 =	vld [tilespmem:$0x50];
	v0 =	vadd.s32 $0x1, v0;
	[tilespmem:$0xC0] =	vst v2  }
0xc4: {  	v22 =	vld [tilespmem:$0xE0];
	v1 =	vadd.s32 $0x1, v1;
	[tilespmem:$0xD0] =	vst v0  }
0xc5: {  	v23 =	vld [tilespmem:$0x30];
	v4 =	vadd.s32 $0x1, v4;
	[tilespmem:$0xB0] =	vst v1  }
0xc6: {  	v24 =	vld [tilespmem:$0xA0];
	v5 =	vadd.s32 $0x1, v5;
	[tilespmem:$0xF0] =	vst v4  }
0xc7: {  	v26 =	vld [tilespmem:$0x80];
	v3 =	vadd.s32 $0x1, v3;
	[tilespmem:$0x60] =	vst v5  }
0xc8: {  	v27 =	vld [tilespmem:$0x0];
	[tilespmem:$0x40] =	vst v3;
	v25 =	vadd.s32 $0x1, v7  }
0xc9: {  	v28 =	vld [tilespmem:$0x90];
	v4 =	vadd.s32 $0x1, v22;
	[tilespmem:$0x50] =	vst v25  }
0xca: {  	v29 =	vld [tilespmem:$0x20];
	v5 =	vadd.s32 $0x1, v23;
	[tilespmem:$0xE0] =	vst v4  }
0xcb: {  	v30 =	vld [tilespmem:$0x10];
	v3 =	vadd.s32 $0x1, v24;
	[tilespmem:$0x30] =	vst v5  }
0xcc: {  	v2 =	vadd.s32 $0x1, v26;
	[tilespmem:$0xA0] =	vst v3  }
0xcd: {  	v31 =	vadd.s32 $0x1, v27;
	[tilespmem:$0x80] =	vst v2  }
0xce: {  	v1 =	vadd.s32 $0x1, v28;
	[tilespmem:$0x0] =	vst v31  }
0xcf: {  	v0 =	vadd.s32 $0x1, v29;
	[tilespmem:$0x90] =	vst v1  }
0xd0: {  	v32 =	vadd.s32 $0x1, v30;
	[tilespmem:$0x20] =	vst v0  }
0xd1: {  	[tilespmem:$0x10] =	vst v32  }
0xd2: {  	[tilespmem:s14], [sflag:$0x1] =	stream.indirect.gather [hbm4b:s2+s13], $0x80, s3, s13, $0xb8;
	[tilespmem:$0x10200] =	vst v63  }
0xd3: {  	_ = 	snop  }
0xd4: {  	[tilespmem:s15], [sflag:$0x1] =	stream.indirect.gather [hbm4b:s2+s13], $0x80, s13, s13, $0xb8;
	[tilespmem:$0x10200] =	vst v63  }
0xd5: {  	s0 =	sand.u32 $0x60, s25;
	_ =	swait.ge [sflag:s23], $0x8000  }
0xd6: {  	s0 =	sadd.s32 s4, s0;
	[sflag:s23] =	ssyncset.done $0x0  }
0xd7: {  	s0 =	sadd.s32 s30, s0;
	[sflag:s23] =	ssyncadd.s32 $0xFFFF8000  }
0xd8: {  	[tilespmem:s16], [sflag:$0x5] =	stream.linear.gather [hbm4b:s0+s3], $0x100, $0x38;
	[tilespmem:$0x10200] =	vst v63  }
0xd9: {  	_ =	swait.ge [sflag:s12], $0x100  }
0xda: {  	[sflag:s12] =	ssyncset.done $0x0  }
0xdb: {  	[sflag:s12] =	ssyncadd.s32 $0xFFFFFF00  }
0xdc: {  	v33 =	vld [tilespmem:$0x100]  }
0xdd: {  	v34 =	vld [tilespmem:$0x110]  }
0xde: {  	v35 =	vld [tilespmem:$0x120]  }
0xdf: {  	v36 =	vld [tilespmem:$0x130]  }
0xe0: {  	v37 =	vld [tilespmem:$0x140]  }
0xe1: {  	v38 =	vld [tilespmem:$0x160];
	v0 =	vadd.s32 $0x1, v33  }
0xe2: {  	v40 =	vld [tilespmem:$0x170];
	v39 =	vadd.s32 $0x1, v34;
	[tilespmem:$0x100] =	vst v0  }
0xe3: {  	v42 =	vld [tilespmem:$0x180];
	v41 =	vadd.s32 $0x1, v35;
	[tilespmem:$0x110] =	vst v39  }
0xe4: {  	v44 =	vld [tilespmem:$0x190];
	v43 =	vadd.s32 $0x1, v36;
	[tilespmem:$0x120] =	vst v41  }
0xe5: {  	v46 =	vld [tilespmem:$0x1A0];
	v45 =	vadd.s32 $0x1, v37;
	[tilespmem:$0x130] =	vst v43  }
0xe6: {  	v48 =	vld [tilespmem:$0x1B0];
	v47 =	vadd.s32 $0x1, v38;
	[tilespmem:$0x140] =	vst v45  }
0xe7: {  	v50 =	vld [tilespmem:$0x1C0];
	v49 =	vadd.s32 $0x1, v40;
	[tilespmem:$0x160] =	vst v47  }
0xe8: {  	v52 =	vld [tilespmem:$0x1D0];
	v51 =	vadd.s32 $0x1, v42;
	[tilespmem:$0x170] =	vst v49  }
0xe9: {  	v54 =	vld [tilespmem:$0x1E0];
	v53 =	vadd.s32 $0x1, v44;
	[tilespmem:$0x180] =	vst v51  }
0xea: {  	v56 =	vld [tilespmem:$0x1F0];
	v55 =	vadd.s32 $0x1, v46;
	[tilespmem:$0x190] =	vst v53  }
0xeb: {  	v58 =	vld [tilespmem:$0x150];
	v57 =	vadd.s32 $0x1, v48;
	[tilespmem:$0x1A0] =	vst v55  }
0xec: {  	v59 =	vadd.s32 $0x1, v50;
	[tilespmem:$0x1B0] =	vst v57  }
0xed: {  	v60 =	vadd.s32 $0x1, v52;
	[tilespmem:$0x1C0] =	vst v59  }
0xee: {  	v61 =	vadd.s32 $0x1, v54;
	[tilespmem:$0x1D0] =	vst v60  }
0xef: {  	v62 =	vadd.s32 $0x1, v56;
	[tilespmem:$0x1E0] =	vst v61  }
0xf0: {  	v63 =	vadd.s32 $0x1, v58;
	[tilespmem:$0x1F0] =	vst v62  }
0xf1: {  	[tilespmem:$0x150] =	vst v63  }
0xf2: {  	[tilespmem:s17], [sflag:$0x2] =	stream.indirect.gather [hbm4b:s2+s13], $0x80, s16, s13, $0xb8;
	[tilespmem:$0x10200] =	vst v63  }
0xf3: {  	_ = 	snop  }
0xf4: {  	[tilespmem:s19], [sflag:$0x2] =	stream.indirect.gather [hbm4b:s2+s13], $0x80, s18, s13, $0xb8;
	[tilespmem:$0x10200] =	vst v63  }
0xf5: {  	_ =	swait.ge [sflag:s20], $0x4000  }
0xf6: {  	[sflag:s20] =	ssyncset.done $0x0  }
0xf7: {  	[sflag:s20] =	ssyncadd.s32 $0xFFFFC000  }
0xf8: {  	_ =	swait.ge [sflag:s20], $0x4000  }
0xf9: {  	[sflag:s20] =	ssyncset.done $0x0  }
0xfa: {  	[sflag:s20] =	ssyncadd.s32 $0xFFFFC000  }
0xfb: {  	[hbm4b:s7+s3] =	stream.linear.scatter [tilespmem:s14], [sflag:$0x3], $0x8000, $0x38;
	[tilespmem:$0x10200] =	vst v63  }
0xfc: {  	_ =	swait.ge [sflag:s21], $0x4000  }
0xfd: {  	[sflag:s21] =	ssyncset.done $0x0  }
0xfe: {  	[sflag:s21] =	ssyncadd.s32 $0xFFFFC000  }
0xff: {  	_ =	swait.ge [sflag:s21], $0x4000  }
0x100: {  	[sflag:s21] =	ssyncset.done $0x0  }
0x101: {  	s24 =	sadd.s32 $0x1, s24;
	[sflag:s21] =	ssyncadd.s32 $0xFFFFC000  }
0x102: {  	[hbm4b:s8+s3] =	stream.linear.scatter [tilespmem:s17], [sflag:$0x4], $0x8000, $0x38;
	[tilespmem:$0x10200] =	vst v63  }
0x103: {  	p0 =	sne.s32 s24, s9;
	_ =	swait.ge [sflag:s22], $0x8000  }
.Ltmp1:
0x104: {  	[sflag:s22] =	ssyncset.done $0x0;
	(pc) =	sbr.rel @p0 .LBB2_1-.Ltmp1, $4  }
0x105: {  	[sflag:s22] =	ssyncadd.s32 $0xFFFF8000  }
0x106: {  	_ =	swait.ge [sflag:s23], $0x8000  }
0x107: {  	[sflag:s23] =	ssyncset.done $0x0  }
0x108: {  	[sflag:s23] =	ssyncadd.s32 $0xFFFF8000  }
0x109: {  	_ =	sfence.sel $0x180000  }
0x10a: {  	[bflag:$0x0] =	sbarrier.arrive $0xFFFF  }
0x10b: {  	_ =	strace $0x90000047  }
0x10c: {  	s0 =	stileid.u32;
	[bflag:$0x2] =	sbarrier.arrive $0xFFFF  }
0x10d: {  	p0 =	sne.s32 s0, $0x0;
	s0 =	rddreg [dreg:$0x3]  }
0x10e: {  	s0 =	sadd.s32 @!p0 $0x100000, s0  }
0x10f: {  	[sflag:s0] =	ssyncadd.tile.s32 @!p0 $0x1;
	_ =	shalt  }
.Lfunc_end2:
_tile_overlayer_lowered:
.L_overlay_start_2:
0x110: {  	(tag) =	ssettag $0x2  }
0x111: {  	s0 =	rddreg [dreg:$0x0];
	s2 =	stileid.u32  }
0x112: {  	s1 =	rddreg [dreg:$0x1];
	p0 =	sne.s32 s2, $0x0  }
0x113: {  	s3 =	rddreg [dreg:$0x2];
	[bflag:$0x3] =	sbarrier.arrive $0xFFFF;
	s2 =	simm.s32 @!p0 $0x1C05  }
0x114: {  	[timem:s3], [sflag:s2] =	dma.local @!p0 [hbm:s0], s1  }
0x115: {  	s0 =	simm.s32 @!p0 $0x5  }
0x116: {  	_ =	swait.ge @!p0 [sflag:s0], s1  }
0x117: {  	s1 =	ssub.s32 @!p0 $0x0, s1;
	[sflag:s0] =	ssyncset.done @!p0 $0x0  }
0x118: {  	[sflag:s0] =	ssyncadd.s32 @!p0 s1  }
0x119: {  	[bflag:$0x3] =	sbarrier.arrive $0xFFFF  }
0x11a: {  	_ =	shalt  }

</sc_bundles>
